<compile_context>
chip_gen: v7x
topology: tpu7x:2x2x1
jax: 0.10.2.dev20260603
libtpu: 0.0.44.dev20260713+nightly
codegen_flags: <defaults>
</compile_context>

<pallas_src>
import functools

import jax
import jax.numpy as jnp
from jax import lax
from jax.experimental import pallas as pl
from jax.experimental.pallas import tpu as pltpu
from jax.experimental.pallas import tpu_sc as plsc

N_NODES = 10000
N_EDGES = 320000
NFEAT = 128
NCLASS = 64
BN_EPS = 1e-5

_NC = 2
_NS = 16
_EDGES_PER_TILE = N_EDGES // (_NC * _NS)
_T = 112
_NTF = 89
_TAIL = _EDGES_PER_TILE - _NTF * _T
_SLAB = _EDGES_PER_TILE + 112
_TPB = 4
_NBODY = 21
_NBUF = 2
_ROWS_MAIN = 624
_ROWS_LAST = N_NODES - 15 * _ROWS_MAIN


def _sc_segment_sum(x, e4):
    mesh = plsc.VectorSubcoreMesh(core_axis_name="c", subcore_axis_name="s")

    @functools.partial(
        pl.kernel,
        mesh=mesh,
        out_type=jax.ShapeDtypeStruct((_NC * N_NODES, NFEAT), jnp.float32),
        scratch_types=[
            pltpu.VMEM((_SLAB,), jnp.int32),
            pltpu.VMEM((_SLAB,), jnp.int32),
            pltpu.VMEM((_NBUF, _T, NFEAT), jnp.float32),
            pltpu.VMEM_SHARED((N_NODES, NFEAT), jnp.float32),
            pltpu.SemaphoreType.DMA,
            pltpu.SemaphoreType.DMA,
            pltpu.SemaphoreType.DMA,
            pltpu.SemaphoreType.DMA,
        ],
    )
    def k(x_hbm, e_hbm, out_hbm, sidx, didx, rows, agg_sh,
          gsem_0, gsem_1, ssem_0, ssem_1):
        c = lax.axis_index("c")
        s = lax.axis_index("s")
        wid = c * _NS + s
        row0 = s * _ROWS_MAIN
        gsem = (gsem_0, gsem_1)
        ssem = (ssem_0, ssem_1)
        m = lax.rem(16 * wid, 128)
        abase = pl.multiple_of(_EDGES_PER_TILE * wid - m, 128)

        def idx_at(ref, k):
            return ref.at[pl.ds(pl.multiple_of(m + k * _T, 16), _T)]

        def issue_gather(k, b):
            pltpu.async_copy(x_hbm.at[idx_at(sidx, k)], rows.at[b], gsem[b])

        def wait_gather(b):
            pltpu.make_async_copy(x_hbm.at[idx_at(sidx, 0)], rows.at[b],
                                  gsem[b]).wait()

        def issue_scatter(k, b):
            pltpu.async_copy(rows.at[b], agg_sh.at[idx_at(didx, k)], ssem[b],
                             add=True)

        def wait_scatter(b):
            pltpu.make_async_copy(rows.at[b], agg_sh.at[idx_at(didx, 0)],
                                  ssem[b]).wait()

        def body(j, carry):
            k0 = j * _TPB
            for t in range(_TPB):
                k = k0 + t
                b = t % _NBUF
                wait_gather(b)
                issue_scatter(k, b)
                wait_scatter(b)
                issue_gather(k + _NBUF, b)
            return carry

        ih_s = pltpu.async_copy(e_hbm.at[0, pl.ds(abase, _SLAB)], sidx,
                                gsem_0)
        ih_d = pltpu.async_copy(e_hbm.at[1, pl.ds(abase, _SLAB)], didx,
                                gsem_1)

        @pl.when(s < _NS - 1)
        def _():
            pltpu.sync_copy(x_hbm.at[pl.ds(row0, _ROWS_MAIN)],
                            agg_sh.at[pl.ds(row0, _ROWS_MAIN)])

        @pl.when(s == _NS - 1)
        def _():
            pltpu.sync_copy(x_hbm.at[pl.ds(row0, _ROWS_LAST)],
                            agg_sh.at[pl.ds(row0, _ROWS_LAST)])

        tail_off = pl.multiple_of(m + _NTF * _T, 16)

        def tail_gather_desc():
            return pltpu.make_async_copy(
                x_hbm.at[sidx.at[pl.ds(tail_off, _TAIL)]],
                rows.at[_NTF % _NBUF, pl.ds(0, _TAIL)], gsem[_NTF % _NBUF])

        def tail_scatter_desc():
            return pltpu.make_async_copy(
                rows.at[_NTF % _NBUF, pl.ds(0, _TAIL)],
                agg_sh.at[didx.at[pl.ds(tail_off, _TAIL)]],
                ssem[_NTF % _NBUF])

        ih_s.wait()
        ih_d.wait()
        plsc.subcore_barrier()
        issue_gather(0, 0)
        issue_gather(1, 1)
        lax.fori_loop(0, _NBODY, body, 0)
        for kk in range(_NBODY * _TPB, _NTF):
            b = kk % _NBUF
            wait_gather(b)
            issue_scatter(kk, b)
            if kk + _NBUF < _NTF:
                wait_scatter(b)
                issue_gather(kk + _NBUF, b)
            elif kk + _NBUF == _NTF:
                wait_scatter(b)
                pltpu.async_copy(
                    x_hbm.at[sidx.at[pl.ds(tail_off, _TAIL)]],
                    rows.at[_NTF % _NBUF, pl.ds(0, _TAIL)],
                    gsem[_NTF % _NBUF])
        tail_gather_desc().wait()
        pltpu.async_copy(rows.at[_NTF % _NBUF, pl.ds(0, _TAIL)],
                         agg_sh.at[didx.at[pl.ds(tail_off, _TAIL)]],
                         ssem[_NTF % _NBUF], add=True)
        wait_scatter((_NTF - 1) % _NBUF)
        tail_scatter_desc().wait()
        plsc.subcore_barrier()

        @pl.when(s < _NS - 1)
        def _():
            pltpu.sync_copy(agg_sh.at[pl.ds(row0, _ROWS_MAIN)],
                            out_hbm.at[pl.ds(c * N_NODES + row0, _ROWS_MAIN)])

        @pl.when(s == _NS - 1)
        def _():
            pltpu.sync_copy(agg_sh.at[pl.ds(row0, _ROWS_LAST)],
                            out_hbm.at[pl.ds(c * N_NODES + row0, _ROWS_LAST)])

    return k(x, e4)


def _tc_mlp(p, x, W1, b1, gamma, beta, W2, b2, Wfc, bfc):
    def body(p_ref, x_ref, w1_ref, b1_ref, g_ref, be_ref, w2_ref, b2_ref,
             wfc_ref, bfc_ref, o_ref):
        h = p_ref[0:N_NODES, :] + p_ref[N_NODES:2 * N_NODES, :] - x_ref[...]
        h = jnp.dot(h, w1_ref[...], preferred_element_type=jnp.float32) + b1_ref[...]
        h = jnp.maximum(h, 0.0)
        mean = jnp.mean(h, axis=0, keepdims=True)
        d = h - mean
        var = jnp.mean(d * d, axis=0, keepdims=True)
        h = d * (g_ref[...] * jax.lax.rsqrt(var + BN_EPS)) + be_ref[...]
        h = jnp.dot(h, w2_ref[...], preferred_element_type=jnp.float32) + b2_ref[...]
        o_ref[...] = (jnp.dot(h, wfc_ref[...], preferred_element_type=jnp.float32)
                      + bfc_ref[...])

    return pl.pallas_call(
        body,
        out_shape=jax.ShapeDtypeStruct((N_NODES, NCLASS), jnp.float32),
    )(p, x, W1, b1.reshape(1, -1), gamma.reshape(1, -1), beta.reshape(1, -1),
      W2, b2.reshape(1, -1), Wfc, bfc.reshape(1, -1))


def kernel(x, edge_index, W1, b1, gamma, beta, W2, b2, Wfc, bfc):
    p = _sc_segment_sum(x, edge_index)
    return _tc_mlp(p, x, W1, b1, gamma, beta, W2, b2, Wfc, bfc)

# --- scband reference (transcript-rebuilt; emitter-appended) ---
"""Pipeline reference for scband-gin-541165879457 (READ-ONLY COPY).

The authoritative reference and input builder live on the scoring server;
editing this copy changes nothing except your own understanding.
"""

import jax, jax.numpy as jnp
import numpy as np

N_NODES = 10000
N_EDGES = 320000
NFEAT = 128
NHID = 128
NCLASS = 64
BN_EPS = 1e-5


def setup_inputs(seed: int = 0) -> dict:
    key = jax.random.key(seed)
    ks = jax.random.split(key, 12)
    x = jax.random.normal(ks[0], (N_NODES, NFEAT), dtype=jnp.float32)
    edge_index = jax.random.randint(ks[1], (2, N_EDGES), 0, N_NODES)
    # GINConv internal MLP: Linear(nfeat,nhid) -> ReLU -> BatchNorm1d(nhid) -> Linear(nhid,nhid)
    W1 = jax.random.normal(ks[2], (NFEAT, NHID), dtype=jnp.float32) * (1.0 / np.sqrt(NFEAT))
    b1 = jnp.zeros((NHID,), dtype=jnp.float32)
    gamma = jnp.ones((NHID,), dtype=jnp.float32)
    beta = jnp.zeros((NHID,), dtype=jnp.float32)
    W2 = jax.random.normal(ks[3], (NHID, NHID), dtype=jnp.float32) * (1.0 / np.sqrt(NHID))
    b2 = jnp.zeros((NHID,), dtype=jnp.float32)
    # final fc: Linear(nhid, nclass)
    Wfc = jax.random.normal(ks[4], (NHID, NCLASS), dtype=jnp.float32) * (1.0 / np.sqrt(NHID))
    bfc = jnp.zeros((NCLASS,), dtype=jnp.float32)
    return {
        "x": x,
        "edge_index": edge_index,
        "W1": W1,
        "b1": b1,
        "gamma": gamma,
        "beta": beta,
        "W2": W2,
        "b2": b2,
        "Wfc": Wfc,
        "bfc": bfc,
    }


def reference(x, edge_index, W1, b1, gamma, beta, W2, b2, Wfc, bfc):
    src = edge_index[0]
    dst = edge_index[1]
    # GINConv with eps=0 (default): h = mlp((1+eps)*x + sum_{j in N(i)} x_j)
    messages = jnp.take(x, src, axis=0)
    agg = jax.ops.segment_sum(messages, dst, num_segments=x.shape[0])
    h = x + agg
    # mlp1: Linear -> ReLU -> BatchNorm1d (training-mode batch stats) -> Linear
    h = h @ W1 + b1
    h = jnp.maximum(h, 0.0)
    mean = jnp.mean(h, axis=0)
    var = jnp.var(h, axis=0)
    h = (h - mean) / jnp.sqrt(var + BN_EPS) * gamma + beta
    h = h @ W2 + b2
    # final fc
    out = h @ Wfc + bfc
    return out

if __name__ == "__main__":
    import jax
    _d = setup_inputs()
    print(jax.jit(kernel)(*tuple(_d.values())))

</pallas_src>

<mosaic_0001>
#map = affine_map<(d0, d1) -> (0, 0)>
module attributes {stable_mosaic.version = 14 : i64} {
  func.func @k(%arg0: i32, %arg1: i32, %arg2: memref<10000x128xf32, #tpu.memory_space<hbm>>, %arg3: memref<2x320000xi32, #tpu.memory_space<hbm>>, %arg4: memref<20000x128xf32, #tpu.memory_space<hbm>>, %arg5: memref<10112xi32, #tpu.memory_space<vmem>>, %arg6: memref<10112xi32, #tpu.memory_space<vmem>>, %arg7: memref<2x112x128xf32, #tpu.memory_space<vmem>>, %arg8: memref<10000x128xf32, #tpu.memory_space<vmem_shared>>, %arg9: memref<!tpu.dma_semaphore, #tpu.memory_space<semaphore_mem>>, %arg10: memref<!tpu.dma_semaphore, #tpu.memory_space<semaphore_mem>>, %arg11: memref<!tpu.dma_semaphore, #tpu.memory_space<semaphore_mem>>, %arg12: memref<!tpu.dma_semaphore, #tpu.memory_space<semaphore_mem>>) attributes {dimension_semantics = [#tpu.dimension_semantics<core_parallel>, #tpu.dimension_semantics<subcore_parallel>], iteration_bounds = array<i64: 2, 16>, scalar_prefetch = 0 : i64, scratch_operands = 8 : i64, tpu.core_type = #tpu.core_type<sc_vector_subcore>, window_params = [{transform_indices = #map}, {transform_indices = #map}, {transform_indices = #map}]} {
    %mul3A = arith.constant 16 : i32
    %mul3A_0 = arith.muli %arg0, %mul3A : i32
    %add3A = arith.addi %mul3A_0, %arg1 : i32
    %mul3A_1 = arith.constant 624 : i32
    %mul3A_2 = arith.muli %arg1, %mul3A_1 : i32
    %mul3A_3 = arith.constant 16 : i32
    %mul3A_4 = arith.muli %mul3A_3, %add3A : i32
    %rem3A = arith.constant 128 : i32
    %rem3A_5 = arith.remsi %mul3A_4, %rem3A : i32
    %mul3A_6 = arith.constant 10000 : i32
    %mul3A_7 = arith.muli %mul3A_6, %add3A : i32
    %sub3A = arith.subi %mul3A_7, %rem3A_5 : i32
    %multiple_of3A = tpu.assume_multiple %sub3A, 128 : i32
    %dma_start3A = arith.constant 0 : i32
    %dma_start3A_8 = tpu.memref_slice %arg3[%dma_start3A, %multiple_of3A] : memref<2x320000xi32, #tpu.memory_space<hbm>> -> memref<1x10112xi32, #tpu.memory_space<hbm>>
    %dma_start3A_9 = tpu.memref_squeeze %dma_start3A_8 : memref<1x10112xi32, #tpu.memory_space<hbm>> -> memref<10112xi32, #tpu.memory_space<hbm>>
    %dma_start3A_10 = tpu.memref_slice %arg3[%dma_start3A, %multiple_of3A] : memref<2x320000xi32, #tpu.memory_space<hbm>> -> memref<1x10112xi32, #tpu.memory_space<hbm>>
    %dma_start3A_11 = tpu.memref_squeeze %dma_start3A_10 : memref<1x10112xi32, #tpu.memory_space<hbm>> -> memref<10112xi32, #tpu.memory_space<hbm>>
    tpu.enqueue_dma source(%dma_start3A_11 : memref<10112xi32, #tpu.memory_space<hbm>>) target(%arg5 : memref<10112xi32, #tpu.memory_space<vmem>>) target_semaphore(%arg9 : memref<!tpu.dma_semaphore, #tpu.memory_space<semaphore_mem>>)
    %dma_start3A_12 = arith.constant 1 : i32
    %dma_start3A_13 = tpu.memref_slice %arg3[%dma_start3A_12, %multiple_of3A] : memref<2x320000xi32, #tpu.memory_space<hbm>> -> memref<1x10112xi32, #tpu.memory_space<hbm>>
    %dma_start3A_14 = tpu.memref_squeeze %dma_start3A_13 : memref<1x10112xi32, #tpu.memory_space<hbm>> -> memref<10112xi32, #tpu.memory_space<hbm>>
    %dma_start3A_15 = tpu.memref_slice %arg3[%dma_start3A_12, %multiple_of3A] : memref<2x320000xi32, #tpu.memory_space<hbm>> -> memref<1x10112xi32, #tpu.memory_space<hbm>>
    %dma_start3A_16 = tpu.memref_squeeze %dma_start3A_15 : memref<1x10112xi32, #tpu.memory_space<hbm>> -> memref<10112xi32, #tpu.memory_space<hbm>>
    tpu.enqueue_dma source(%dma_start3A_16 : memref<10112xi32, #tpu.memory_space<hbm>>) target(%arg6 : memref<10112xi32, #tpu.memory_space<vmem>>) target_semaphore(%arg10 : memref<!tpu.dma_semaphore, #tpu.memory_space<semaphore_mem>>)
    %lt3A = arith.constant 15 : i32
    %lt3A_17 = arith.cmpi slt, %arg1, %lt3A : i32
    %convert_element_type3A = arith.extui %lt3A_17 : i1 to i32
    %cond3A = arith.constant 0 : i32
    %cond3A_18 = arith.cmpi ne, %convert_element_type3A, %cond3A : i32
    scf.if %cond3A_18 {
      "tpu.region"() ({
        %run_scoped3A = tpu.sem_alloc : memref<!tpu.dma_semaphore, #tpu.memory_space<semaphore_mem>>
        %dma_start3A_327 = arith.constant 0 : i32
        %dma_start3A_328 = tpu.memref_slice %arg8[%mul3A_2, %dma_start3A_327] : memref<10000x128xf32, #tpu.memory_space<vmem_shared>> -> memref<624x128xf32, #tpu.memory_space<vmem_shared>>
        %dma_start3A_329 = arith.constant 0 : i32
        %dma_start3A_330 = tpu.memref_slice %arg2[%mul3A_2, %dma_start3A_329] : memref<10000x128xf32, #tpu.memory_space<hbm>> -> memref<624x128xf32, #tpu.memory_space<hbm>>
        tpu.enqueue_dma source(%dma_start3A_330 : memref<624x128xf32, #tpu.memory_space<hbm>>) target(%dma_start3A_328 : memref<624x128xf32, #tpu.memory_space<vmem_shared>>) target_semaphore(%run_scoped3A : memref<!tpu.dma_semaphore, #tpu.memory_space<semaphore_mem>>)
        %dma_wait3A_331 = arith.constant 0 : i32
        %dma_wait3A_332 = tpu.memref_slice %arg8[%mul3A_2, %dma_wait3A_331] : memref<10000x128xf32, #tpu.memory_space<vmem_shared>> -> memref<624x128xf32, #tpu.memory_space<vmem_shared>>
        %dma_wait3A_333 = arith.constant 0 : i32
        %dma_wait3A_334 = tpu.memref_slice %arg2[%mul3A_2, %dma_wait3A_333] : memref<10000x128xf32, #tpu.memory_space<hbm>> -> memref<624x128xf32, #tpu.memory_space<hbm>>
        tpu.wait_dma2 semaphore(%run_scoped3A : memref<!tpu.dma_semaphore, #tpu.memory_space<semaphore_mem>>) src(%dma_wait3A_334 : memref<624x128xf32, #tpu.memory_space<hbm>>) dst(%dma_wait3A_332 : memref<624x128xf32, #tpu.memory_space<vmem_shared>>)
        tpu.yield
      }) : () -> ()
    } else {
    }
    %eq3A = arith.constant 15 : i32
    %eq3A_19 = arith.cmpi eq, %arg1, %eq3A : i32
    %convert_element_type3A_20 = arith.extui %eq3A_19 : i1 to i32
    %cond3A_21 = arith.constant 0 : i32
    %cond3A_22 = arith.cmpi ne, %convert_element_type3A_20, %cond3A_21 : i32
    scf.if %cond3A_22 {
      "tpu.region"() ({
        %run_scoped3A = tpu.sem_alloc : memref<!tpu.dma_semaphore, #tpu.memory_space<semaphore_mem>>
        %dma_start3A_327 = arith.constant 0 : i32
        %dma_start3A_328 = tpu.memref_slice %arg8[%mul3A_2, %dma_start3A_327] : memref<10000x128xf32, #tpu.memory_space<vmem_shared>> -> memref<640x128xf32, #tpu.memory_space<vmem_shared>>
        %dma_start3A_329 = arith.constant 0 : i32
        %dma_start3A_330 = tpu.memref_slice %arg2[%mul3A_2, %dma_start3A_329] : memref<10000x128xf32, #tpu.memory_space<hbm>> -> memref<640x128xf32, #tpu.memory_space<hbm>>
        tpu.enqueue_dma source(%dma_start3A_330 : memref<640x128xf32, #tpu.memory_space<hbm>>) target(%dma_start3A_328 : memref<640x128xf32, #tpu.memory_space<vmem_shared>>) target_semaphore(%run_scoped3A : memref<!tpu.dma_semaphore, #tpu.memory_space<semaphore_mem>>)
        %dma_wait3A_331 = arith.constant 0 : i32
        %dma_wait3A_332 = tpu.memref_slice %arg8[%mul3A_2, %dma_wait3A_331] : memref<10000x128xf32, #tpu.memory_space<vmem_shared>> -> memref<640x128xf32, #tpu.memory_space<vmem_shared>>
        %dma_wait3A_333 = arith.constant 0 : i32
        %dma_wait3A_334 = tpu.memref_slice %arg2[%mul3A_2, %dma_wait3A_333] : memref<10000x128xf32, #tpu.memory_space<hbm>> -> memref<640x128xf32, #tpu.memory_space<hbm>>
        tpu.wait_dma2 semaphore(%run_scoped3A : memref<!tpu.dma_semaphore, #tpu.memory_space<semaphore_mem>>) src(%dma_wait3A_334 : memref<640x128xf32, #tpu.memory_space<hbm>>) dst(%dma_wait3A_332 : memref<640x128xf32, #tpu.memory_space<vmem_shared>>)
        tpu.yield
      }) : () -> ()
    } else {
    }
    %add3A_23 = arith.constant 9968 : i32
    %add3A_24 = arith.addi %rem3A_5, %add3A_23 : i32
    %multiple_of3A_25 = tpu.assume_multiple %add3A_24, 16 : i32
    %dma_wait3A = arith.constant 0 : i32
    %dma_wait3A_26 = tpu.memref_slice %arg3[%dma_wait3A, %multiple_of3A] : memref<2x320000xi32, #tpu.memory_space<hbm>> -> memref<1x10112xi32, #tpu.memory_space<hbm>>
    %dma_wait3A_27 = tpu.memref_squeeze %dma_wait3A_26 : memref<1x10112xi32, #tpu.memory_space<hbm>> -> memref<10112xi32, #tpu.memory_space<hbm>>
    %dma_wait3A_28 = tpu.memref_slice %arg3[%dma_wait3A, %multiple_of3A] : memref<2x320000xi32, #tpu.memory_space<hbm>> -> memref<1x10112xi32, #tpu.memory_space<hbm>>
    %dma_wait3A_29 = tpu.memref_squeeze %dma_wait3A_28 : memref<1x10112xi32, #tpu.memory_space<hbm>> -> memref<10112xi32, #tpu.memory_space<hbm>>
    tpu.wait_dma2 semaphore(%arg9 : memref<!tpu.dma_semaphore, #tpu.memory_space<semaphore_mem>>) src(%dma_wait3A_29 : memref<10112xi32, #tpu.memory_space<hbm>>) dst(%arg5 : memref<10112xi32, #tpu.memory_space<vmem>>)
    %dma_wait3A_30 = arith.constant 1 : i32
    %dma_wait3A_31 = tpu.memref_slice %arg3[%dma_wait3A_30, %multiple_of3A] : memref<2x320000xi32, #tpu.memory_space<hbm>> -> memref<1x10112xi32, #tpu.memory_space<hbm>>
    %dma_wait3A_32 = tpu.memref_squeeze %dma_wait3A_31 : memref<1x10112xi32, #tpu.memory_space<hbm>> -> memref<10112xi32, #tpu.memory_space<hbm>>
    %dma_wait3A_33 = tpu.memref_slice %arg3[%dma_wait3A_30, %multiple_of3A] : memref<2x320000xi32, #tpu.memory_space<hbm>> -> memref<1x10112xi32, #tpu.memory_space<hbm>>
    %dma_wait3A_34 = tpu.memref_squeeze %dma_wait3A_33 : memref<1x10112xi32, #tpu.memory_space<hbm>> -> memref<10112xi32, #tpu.memory_space<hbm>>
    tpu.wait_dma2 semaphore(%arg10 : memref<!tpu.dma_semaphore, #tpu.memory_space<semaphore_mem>>) src(%dma_wait3A_34 : memref<10112xi32, #tpu.memory_space<hbm>>) dst(%arg6 : memref<10112xi32, #tpu.memory_space<vmem>>)
    %barrier3A = arith.constant 0 : index
    tpu.barrier barrier_id(%barrier3A)
    %add3A_35 = arith.constant 0 : i32
    %add3A_36 = arith.addi %rem3A_5, %add3A_35 : i32
    %multiple_of3A_37 = tpu.assume_multiple %add3A_36, 16 : i32
    %dma_start3A_38 = arith.constant 0 : i32
    %dma_start3A_39 = arith.constant 0 : i32
    %dma_start3A_40 = arith.constant 0 : i32
    %dma_start3A_41 = tpu.memref_slice %arg7[%dma_start3A_38, %dma_start3A_39, %dma_start3A_40] : memref<2x112x128xf32, #tpu.memory_space<vmem>> -> memref<1x112x128xf32, #tpu.memory_space<vmem>>
    %dma_start3A_42 = tpu.memref_squeeze %dma_start3A_41 : memref<1x112x128xf32, #tpu.memory_space<vmem>> -> memref<112x128xf32, #tpu.memory_space<vmem>>
    %dma_start3A_43 = tpu.memref_slice %arg5[%multiple_of3A_37] : memref<10112xi32, #tpu.memory_space<vmem>> -> memref<112xi32, #tpu.memory_space<vmem>>
    %dma_start3A_44 = arith.constant 0 : i32
    %dma_start3A_45 = arith.constant 0 : i32
    %dma_start3A_46 = tpu.memref_slice %arg2[%dma_start3A_44, %dma_start3A_45] : memref<10000x128xf32, #tpu.memory_space<hbm>> -> memref<10000x128xf32, #tpu.memory_space<hbm>>
    tpu.enqueue_indirect_dma source(%dma_start3A_46 : memref<10000x128xf32, #tpu.memory_space<hbm>>) target(%dma_start3A_42 : memref<112x128xf32, #tpu.memory_space<vmem>>) offsets(%dma_start3A_43 : memref<112xi32, #tpu.memory_space<vmem>>) semaphore(%arg9 : memref<!tpu.dma_semaphore, #tpu.memory_space<semaphore_mem>>)
    %add3A_47 = arith.constant 112 : i32
    %add3A_48 = arith.addi %rem3A_5, %add3A_47 : i32
    %multiple_of3A_49 = tpu.assume_multiple %add3A_48, 16 : i32
    %dma_start3A_50 = arith.constant 1 : i32
    %dma_start3A_51 = arith.constant 0 : i32
    %dma_start3A_52 = arith.constant 0 : i32
    %dma_start3A_53 = tpu.memref_slice %arg7[%dma_start3A_50, %dma_start3A_51, %dma_start3A_52] : memref<2x112x128xf32, #tpu.memory_space<vmem>> -> memref<1x112x128xf32, #tpu.memory_space<vmem>>
    %dma_start3A_54 = tpu.memref_squeeze %dma_start3A_53 : memref<1x112x128xf32, #tpu.memory_space<vmem>> -> memref<112x128xf32, #tpu.memory_space<vmem>>
    %dma_start3A_55 = tpu.memref_slice %arg5[%multiple_of3A_49] : memref<10112xi32, #tpu.memory_space<vmem>> -> memref<112xi32, #tpu.memory_space<vmem>>
    %dma_start3A_56 = arith.constant 0 : i32
    %dma_start3A_57 = arith.constant 0 : i32
    %dma_start3A_58 = tpu.memref_slice %arg2[%dma_start3A_56, %dma_start3A_57] : memref<10000x128xf32, #tpu.memory_space<hbm>> -> memref<10000x128xf32, #tpu.memory_space<hbm>>
    tpu.enqueue_indirect_dma source(%dma_start3A_58 : memref<10000x128xf32, #tpu.memory_space<hbm>>) target(%dma_start3A_54 : memref<112x128xf32, #tpu.memory_space<vmem>>) offsets(%dma_start3A_55 : memref<112xi32, #tpu.memory_space<vmem>>) semaphore(%arg10 : memref<!tpu.dma_semaphore, #tpu.memory_space<semaphore_mem>>)
    %scan3A = arith.constant 0 : i32
    %scan3A_59 = arith.constant 0 : i32
    %scan3A_60 = arith.constant 21 : i32
    %scan3A_61 = arith.addi %scan3A_59, %scan3A_60 : i32
    %scan3A_62 = arith.constant 1 : i32
    scf.for %scan3A_327 = %scan3A_59 to %scan3A_61 step %scan3A_62  : i32 {
      %mul3A_328 = arith.constant 4 : i32
      %mul3A_329 = arith.muli %scan3A_327, %mul3A_328 : i32
      %add3A_330 = arith.constant 0 : i32
      %add3A_331 = arith.addi %mul3A_329, %add3A_330 : i32
      %add3A_332 = arith.constant 0 : i32
      %add3A_333 = arith.addi %rem3A_5, %add3A_332 : i32
      %multiple_of3A_334 = tpu.assume_multiple %add3A_333, 16 : i32
      %dma_wait3A_335 = arith.constant 0 : i32
      %dma_wait3A_336 = arith.constant 0 : i32
      %dma_wait3A_337 = arith.constant 0 : i32
      %dma_wait3A_338 = tpu.memref_slice %arg7[%dma_wait3A_335, %dma_wait3A_336, %dma_wait3A_337] : memref<2x112x128xf32, #tpu.memory_space<vmem>> -> memref<1x112x128xf32, #tpu.memory_space<vmem>>
      %dma_wait3A_339 = tpu.memref_squeeze %dma_wait3A_338 : memref<1x112x128xf32, #tpu.memory_space<vmem>> -> memref<112x128xf32, #tpu.memory_space<vmem>>
      %dma_wait3A_340 = tpu.memref_slice %arg5[%multiple_of3A_334] : memref<10112xi32, #tpu.memory_space<vmem>> -> memref<112xi32, #tpu.memory_space<vmem>>
      %dma_wait3A_341 = arith.constant 0 : i32
      %dma_wait3A_342 = arith.constant 0 : i32
      %dma_wait3A_343 = tpu.memref_slice %arg2[%dma_wait3A_341, %dma_wait3A_342] : memref<10000x128xf32, #tpu.memory_space<hbm>> -> memref<10000x128xf32, #tpu.memory_space<hbm>>
      tpu.wait_indirect_dma semaphore(%arg9 : memref<!tpu.dma_semaphore, #tpu.memory_space<semaphore_mem>>) src(%dma_wait3A_343 : memref<10000x128xf32, #tpu.memory_space<hbm>>) dst(%dma_wait3A_339 : memref<112x128xf32, #tpu.memory_space<vmem>>)
      %mul3A_344 = arith.constant 112 : i32
      %mul3A_345 = arith.muli %add3A_331, %mul3A_344 : i32
      %add3A_346 = arith.addi %rem3A_5, %mul3A_345 : i32
      %multiple_of3A_347 = tpu.assume_multiple %add3A_346, 16 : i32
      %dma_start3A_348 = arith.constant 0 : i32
      %dma_start3A_349 = arith.constant 0 : i32
      %dma_start3A_350 = arith.constant 0 : i32
      %dma_start3A_351 = tpu.memref_slice %arg7[%dma_start3A_348, %dma_start3A_349, %dma_start3A_350] : memref<2x112x128xf32, #tpu.memory_space<vmem>> -> memref<1x112x128xf32, #tpu.memory_space<vmem>>
      %dma_start3A_352 = tpu.memref_squeeze %dma_start3A_351 : memref<1x112x128xf32, #tpu.memory_space<vmem>> -> memref<112x128xf32, #tpu.memory_space<vmem>>
      %dma_start3A_353 = tpu.memref_slice %arg6[%multiple_of3A_347] : memref<10112xi32, #tpu.memory_space<vmem>> -> memref<112xi32, #tpu.memory_space<vmem>>
      %dma_start3A_354 = arith.constant 0 : i32
      %dma_start3A_355 = arith.constant 0 : i32
      %dma_start3A_356 = tpu.memref_slice %arg8[%dma_start3A_354, %dma_start3A_355] : memref<10000x128xf32, #tpu.memory_space<vmem_shared>> -> memref<10000x128xf32, #tpu.memory_space<vmem_shared>>
      tpu.enqueue_indirect_dma source(%dma_start3A_352 : memref<112x128xf32, #tpu.memory_space<vmem>>) target(%dma_start3A_356 : memref<10000x128xf32, #tpu.memory_space<vmem_shared>>) offsets(%dma_start3A_353 : memref<112xi32, #tpu.memory_space<vmem>>) semaphore(%arg11 : memref<!tpu.dma_semaphore, #tpu.memory_space<semaphore_mem>>) {add = true}
      %add3A_357 = arith.constant 0 : i32
      %add3A_358 = arith.addi %rem3A_5, %add3A_357 : i32
      %multiple_of3A_359 = tpu.assume_multiple %add3A_358, 16 : i32
      %dma_wait3A_360 = arith.constant 0 : i32
      %dma_wait3A_361 = arith.constant 0 : i32
      %dma_wait3A_362 = arith.constant 0 : i32
      %dma_wait3A_363 = tpu.memref_slice %arg7[%dma_wait3A_360, %dma_wait3A_361, %dma_wait3A_362] : memref<2x112x128xf32, #tpu.memory_space<vmem>> -> memref<1x112x128xf32, #tpu.memory_space<vmem>>
      %dma_wait3A_364 = tpu.memref_squeeze %dma_wait3A_363 : memref<1x112x128xf32, #tpu.memory_space<vmem>> -> memref<112x128xf32, #tpu.memory_space<vmem>>
      %dma_wait3A_365 = tpu.memref_slice %arg6[%multiple_of3A_359] : memref<10112xi32, #tpu.memory_space<vmem>> -> memref<112xi32, #tpu.memory_space<vmem>>
      %dma_wait3A_366 = arith.constant 0 : i32
      %dma_wait3A_367 = arith.constant 0 : i32
      %dma_wait3A_368 = tpu.memref_slice %arg8[%dma_wait3A_366, %dma_wait3A_367] : memref<10000x128xf32, #tpu.memory_space<vmem_shared>> -> memref<10000x128xf32, #tpu.memory_space<vmem_shared>>
      tpu.wait_indirect_dma semaphore(%arg11 : memref<!tpu.dma_semaphore, #tpu.memory_space<semaphore_mem>>) src(%dma_wait3A_364 : memref<112x128xf32, #tpu.memory_space<vmem>>) dst(%dma_wait3A_368 : memref<10000x128xf32, #tpu.memory_space<vmem_shared>>)
      %add3A_369 = arith.constant 2 : i32
      %add3A_370 = arith.addi %add3A_331, %add3A_369 : i32
      %mul3A_371 = arith.constant 112 : i32
      %mul3A_372 = arith.muli %add3A_370, %mul3A_371 : i32
      %add3A_373 = arith.addi %rem3A_5, %mul3A_372 : i32
      %multiple_of3A_374 = tpu.assume_multiple %add3A_373, 16 : i32
      %dma_start3A_375 = arith.constant 0 : i32
      %dma_start3A_376 = arith.constant 0 : i32
      %dma_start3A_377 = arith.constant 0 : i32
      %dma_start3A_378 = tpu.memref_slice %arg7[%dma_start3A_375, %dma_start3A_376, %dma_start3A_377] : memref<2x112x128xf32, #tpu.memory_space<vmem>> -> memref<1x112x128xf32, #tpu.memory_space<vmem>>
      %dma_start3A_379 = tpu.memref_squeeze %dma_start3A_378 : memref<1x112x128xf32, #tpu.memory_space<vmem>> -> memref<112x128xf32, #tpu.memory_space<vmem>>
      %dma_start3A_380 = tpu.memref_slice %arg5[%multiple_of3A_374] : memref<10112xi32, #tpu.memory_space<vmem>> -> memref<112xi32, #tpu.memory_space<vmem>>
      %dma_start3A_381 = arith.constant 0 : i32
      %dma_start3A_382 = arith.constant 0 : i32
      %dma_start3A_383 = tpu.memref_slice %arg2[%dma_start3A_381, %dma_start3A_382] : memref<10000x128xf32, #tpu.memory_space<hbm>> -> memref<10000x128xf32, #tpu.memory_space<hbm>>
      tpu.enqueue_indirect_dma source(%dma_start3A_383 : memref<10000x128xf32, #tpu.memory_space<hbm>>) target(%dma_start3A_379 : memref<112x128xf32, #tpu.memory_space<vmem>>) offsets(%dma_start3A_380 : memref<112xi32, #tpu.memory_space<vmem>>) semaphore(%arg9 : memref<!tpu.dma_semaphore, #tpu.memory_space<semaphore_mem>>)
      %add3A_384 = arith.constant 1 : i32
      %add3A_385 = arith.addi %mul3A_329, %add3A_384 : i32
      %add3A_386 = arith.constant 0 : i32
      %add3A_387 = arith.addi %rem3A_5, %add3A_386 : i32
      %multiple_of3A_388 = tpu.assume_multiple %add3A_387, 16 : i32
      %dma_wait3A_389 = arith.constant 1 : i32
      %dma_wait3A_390 = arith.constant 0 : i32
      %dma_wait3A_391 = arith.constant 0 : i32
      %dma_wait3A_392 = tpu.memref_slice %arg7[%dma_wait3A_389, %dma_wait3A_390, %dma_wait3A_391] : memref<2x112x128xf32, #tpu.memory_space<vmem>> -> memref<1x112x128xf32, #tpu.memory_space<vmem>>
      %dma_wait3A_393 = tpu.memref_squeeze %dma_wait3A_392 : memref<1x112x128xf32, #tpu.memory_space<vmem>> -> memref<112x128xf32, #tpu.memory_space<vmem>>
      %dma_wait3A_394 = tpu.memref_slice %arg5[%multiple_of3A_388] : memref<10112xi32, #tpu.memory_space<vmem>> -> memref<112xi32, #tpu.memory_space<vmem>>
      %dma_wait3A_395 = arith.constant 0 : i32
      %dma_wait3A_396 = arith.constant 0 : i32
      %dma_wait3A_397 = tpu.memref_slice %arg2[%dma_wait3A_395, %dma_wait3A_396] : memref<10000x128xf32, #tpu.memory_space<hbm>> -> memref<10000x128xf32, #tpu.memory_space<hbm>>
      tpu.wait_indirect_dma semaphore(%arg10 : memref<!tpu.dma_semaphore, #tpu.memory_space<semaphore_mem>>) src(%dma_wait3A_397 : memref<10000x128xf32, #tpu.memory_space<hbm>>) dst(%dma_wait3A_393 : memref<112x128xf32, #tpu.memory_space<vmem>>)
      %mul3A_398 = arith.constant 112 : i32
      %mul3A_399 = arith.muli %add3A_385, %mul3A_398 : i32
      %add3A_400 = arith.addi %rem3A_5, %mul3A_399 : i32
      %multiple_of3A_401 = tpu.assume_multiple %add3A_400, 16 : i32
      %dma_start3A_402 = arith.constant 1 : i32
      %dma_start3A_403 = arith.constant 0 : i32
      %dma_start3A_404 = arith.constant 0 : i32
      %dma_start3A_405 = tpu.memref_slice %arg7[%dma_start3A_402, %dma_start3A_403, %dma_start3A_404] : memref<2x112x128xf32, #tpu.memory_space<vmem>> -> memref<1x112x128xf32, #tpu.memory_space<vmem>>
      %dma_start3A_406 = tpu.memref_squeeze %dma_start3A_405 : memref<1x112x128xf32, #tpu.memory_space<vmem>> -> memref<112x128xf32, #tpu.memory_space<vmem>>
      %dma_start3A_407 = tpu.memref_slice %arg6[%multiple_of3A_401] : memref<10112xi32, #tpu.memory_space<vmem>> -> memref<112xi32, #tpu.memory_space<vmem>>
      %dma_start3A_408 = arith.constant 0 : i32
      %dma_start3A_409 = arith.constant 0 : i32
      %dma_start3A_410 = tpu.memref_slice %arg8[%dma_start3A_408, %dma_start3A_409] : memref<10000x128xf32, #tpu.memory_space<vmem_shared>> -> memref<10000x128xf32, #tpu.memory_space<vmem_shared>>
      tpu.enqueue_indirect_dma source(%dma_start3A_406 : memref<112x128xf32, #tpu.memory_space<vmem>>) target(%dma_start3A_410 : memref<10000x128xf32, #tpu.memory_space<vmem_shared>>) offsets(%dma_start3A_407 : memref<112xi32, #tpu.memory_space<vmem>>) semaphore(%arg12 : memref<!tpu.dma_semaphore, #tpu.memory_space<semaphore_mem>>) {add = true}
      %add3A_411 = arith.constant 0 : i32
      %add3A_412 = arith.addi %rem3A_5, %add3A_411 : i32
      %multiple_of3A_413 = tpu.assume_multiple %add3A_412, 16 : i32
      %dma_wait3A_414 = arith.constant 1 : i32
      %dma_wait3A_415 = arith.constant 0 : i32
      %dma_wait3A_416 = arith.constant 0 : i32
      %dma_wait3A_417 = tpu.memref_slice %arg7[%dma_wait3A_414, %dma_wait3A_415, %dma_wait3A_416] : memref<2x112x128xf32, #tpu.memory_space<vmem>> -> memref<1x112x128xf32, #tpu.memory_space<vmem>>
      %dma_wait3A_418 = tpu.memref_squeeze %dma_wait3A_417 : memref<1x112x128xf32, #tpu.memory_space<vmem>> -> memref<112x128xf32, #tpu.memory_space<vmem>>
      %dma_wait3A_419 = tpu.memref_slice %arg6[%multiple_of3A_413] : memref<10112xi32, #tpu.memory_space<vmem>> -> memref<112xi32, #tpu.memory_space<vmem>>
      %dma_wait3A_420 = arith.constant 0 : i32
      %dma_wait3A_421 = arith.constant 0 : i32
      %dma_wait3A_422 = tpu.memref_slice %arg8[%dma_wait3A_420, %dma_wait3A_421] : memref<10000x128xf32, #tpu.memory_space<vmem_shared>> -> memref<10000x128xf32, #tpu.memory_space<vmem_shared>>
      tpu.wait_indirect_dma semaphore(%arg12 : memref<!tpu.dma_semaphore, #tpu.memory_space<semaphore_mem>>) src(%dma_wait3A_418 : memref<112x128xf32, #tpu.memory_space<vmem>>) dst(%dma_wait3A_422 : memref<10000x128xf32, #tpu.memory_space<vmem_shared>>)
      %add3A_423 = arith.constant 2 : i32
      %add3A_424 = arith.addi %add3A_385, %add3A_423 : i32
      %mul3A_425 = arith.constant 112 : i32
      %mul3A_426 = arith.muli %add3A_424, %mul3A_425 : i32
      %add3A_427 = arith.addi %rem3A_5, %mul3A_426 : i32
      %multiple_of3A_428 = tpu.assume_multiple %add3A_427, 16 : i32
      %dma_start3A_429 = arith.constant 1 : i32
      %dma_start3A_430 = arith.constant 0 : i32
      %dma_start3A_431 = arith.constant 0 : i32
      %dma_start3A_432 = tpu.memref_slice %arg7[%dma_start3A_429, %dma_start3A_430, %dma_start3A_431] : memref<2x112x128xf32, #tpu.memory_space<vmem>> -> memref<1x112x128xf32, #tpu.memory_space<vmem>>
      %dma_start3A_433 = tpu.memref_squeeze %dma_start3A_432 : memref<1x112x128xf32, #tpu.memory_space<vmem>> -> memref<112x128xf32, #tpu.memory_space<vmem>>
      %dma_start3A_434 = tpu.memref_slice %arg5[%multiple_of3A_428] : memref<10112xi32, #tpu.memory_space<vmem>> -> memref<112xi32, #tpu.memory_space<vmem>>
      %dma_start3A_435 = arith.constant 0 : i32
      %dma_start3A_436 = arith.constant 0 : i32
      %dma_start3A_437 = tpu.memref_slice %arg2[%dma_start3A_435, %dma_start3A_436] : memref<10000x128xf32, #tpu.memory_space<hbm>> -> memref<10000x128xf32, #tpu.memory_space<hbm>>
      tpu.enqueue_indirect_dma source(%dma_start3A_437 : memref<10000x128xf32, #tpu.memory_space<hbm>>) target(%dma_start3A_433 : memref<112x128xf32, #tpu.memory_space<vmem>>) offsets(%dma_start3A_434 : memref<112xi32, #tpu.memory_space<vmem>>) semaphore(%arg10 : memref<!tpu.dma_semaphore, #tpu.memory_space<semaphore_mem>>)
      %add3A_438 = arith.constant 2 : i32
      %add3A_439 = arith.addi %mul3A_329, %add3A_438 : i32
      %add3A_440 = arith.constant 0 : i32
      %add3A_441 = arith.addi %rem3A_5, %add3A_440 : i32
      %multiple_of3A_442 = tpu.assume_multiple %add3A_441, 16 : i32
      %dma_wait3A_443 = arith.constant 0 : i32
      %dma_wait3A_444 = arith.constant 0 : i32
      %dma_wait3A_445 = arith.constant 0 : i32
      %dma_wait3A_446 = tpu.memref_slice %arg7[%dma_wait3A_443, %dma_wait3A_444, %dma_wait3A_445] : memref<2x112x128xf32, #tpu.memory_space<vmem>> -> memref<1x112x128xf32, #tpu.memory_space<vmem>>
      %dma_wait3A_447 = tpu.memref_squeeze %dma_wait3A_446 : memref<1x112x128xf32, #tpu.memory_space<vmem>> -> memref<112x128xf32, #tpu.memory_space<vmem>>
      %dma_wait3A_448 = tpu.memref_slice %arg5[%multiple_of3A_442] : memref<10112xi32, #tpu.memory_space<vmem>> -> memref<112xi32, #tpu.memory_space<vmem>>
      %dma_wait3A_449 = arith.constant 0 : i32
      %dma_wait3A_450 = arith.constant 0 : i32
      %dma_wait3A_451 = tpu.memref_slice %arg2[%dma_wait3A_449, %dma_wait3A_450] : memref<10000x128xf32, #tpu.memory_space<hbm>> -> memref<10000x128xf32, #tpu.memory_space<hbm>>
      tpu.wait_indirect_dma semaphore(%arg9 : memref<!tpu.dma_semaphore, #tpu.memory_space<semaphore_mem>>) src(%dma_wait3A_451 : memref<10000x128xf32, #tpu.memory_space<hbm>>) dst(%dma_wait3A_447 : memref<112x128xf32, #tpu.memory_space<vmem>>)
      %mul3A_452 = arith.constant 112 : i32
      %mul3A_453 = arith.muli %add3A_439, %mul3A_452 : i32
      %add3A_454 = arith.addi %rem3A_5, %mul3A_453 : i32
      %multiple_of3A_455 = tpu.assume_multiple %add3A_454, 16 : i32
      %dma_start3A_456 = arith.constant 0 : i32
      %dma_start3A_457 = arith.constant 0 : i32
      %dma_start3A_458 = arith.constant 0 : i32
      %dma_start3A_459 = tpu.memref_slice %arg7[%dma_start3A_456, %dma_start3A_457, %dma_start3A_458] : memref<2x112x128xf32, #tpu.memory_space<vmem>> -> memref<1x112x128xf32, #tpu.memory_space<vmem>>
      %dma_start3A_460 = tpu.memref_squeeze %dma_start3A_459 : memref<1x112x128xf32, #tpu.memory_space<vmem>> -> memref<112x128xf32, #tpu.memory_space<vmem>>
      %dma_start3A_461 = tpu.memref_slice %arg6[%multiple_of3A_455] : memref<10112xi32, #tpu.memory_space<vmem>> -> memref<112xi32, #tpu.memory_space<vmem>>
      %dma_start3A_462 = arith.constant 0 : i32
      %dma_start3A_463 = arith.constant 0 : i32
      %dma_start3A_464 = tpu.memref_slice %arg8[%dma_start3A_462, %dma_start3A_463] : memref<10000x128xf32, #tpu.memory_space<vmem_shared>> -> memref<10000x128xf32, #tpu.memory_space<vmem_shared>>
      tpu.enqueue_indirect_dma source(%dma_start3A_460 : memref<112x128xf32, #tpu.memory_space<vmem>>) target(%dma_start3A_464 : memref<10000x128xf32, #tpu.memory_space<vmem_shared>>) offsets(%dma_start3A_461 : memref<112xi32, #tpu.memory_space<vmem>>) semaphore(%arg11 : memref<!tpu.dma_semaphore, #tpu.memory_space<semaphore_mem>>) {add = true}
      %add3A_465 = arith.constant 0 : i32
      %add3A_466 = arith.addi %rem3A_5, %add3A_465 : i32
      %multiple_of3A_467 = tpu.assume_multiple %add3A_466, 16 : i32
      %dma_wait3A_468 = arith.constant 0 : i32
      %dma_wait3A_469 = arith.constant 0 : i32
      %dma_wait3A_470 = arith.constant 0 : i32
      %dma_wait3A_471 = tpu.memref_slice %arg7[%dma_wait3A_468, %dma_wait3A_469, %dma_wait3A_470] : memref<2x112x128xf32, #tpu.memory_space<vmem>> -> memref<1x112x128xf32, #tpu.memory_space<vmem>>
      %dma_wait3A_472 = tpu.memref_squeeze %dma_wait3A_471 : memref<1x112x128xf32, #tpu.memory_space<vmem>> -> memref<112x128xf32, #tpu.memory_space<vmem>>
      %dma_wait3A_473 = tpu.memref_slice %arg6[%multiple_of3A_467] : memref<10112xi32, #tpu.memory_space<vmem>> -> memref<112xi32, #tpu.memory_space<vmem>>
      %dma_wait3A_474 = arith.constant 0 : i32
      %dma_wait3A_475 = arith.constant 0 : i32
      %dma_wait3A_476 = tpu.memref_slice %arg8[%dma_wait3A_474, %dma_wait3A_475] : memref<10000x128xf32, #tpu.memory_space<vmem_shared>> -> memref<10000x128xf32, #tpu.memory_space<vmem_shared>>
      tpu.wait_indirect_dma semaphore(%arg11 : memref<!tpu.dma_semaphore, #tpu.memory_space<semaphore_mem>>) src(%dma_wait3A_472 : memref<112x128xf32, #tpu.memory_space<vmem>>) dst(%dma_wait3A_476 : memref<10000x128xf32, #tpu.memory_space<vmem_shared>>)
      %add3A_477 = arith.constant 2 : i32
      %add3A_478 = arith.addi %add3A_439, %add3A_477 : i32
      %mul3A_479 = arith.constant 112 : i32
      %mul3A_480 = arith.muli %add3A_478, %mul3A_479 : i32
      %add3A_481 = arith.addi %rem3A_5, %mul3A_480 : i32
      %multiple_of3A_482 = tpu.assume_multiple %add3A_481, 16 : i32
      %dma_start3A_483 = arith.constant 0 : i32
      %dma_start3A_484 = arith.constant 0 : i32
      %dma_start3A_485 = arith.constant 0 : i32
      %dma_start3A_486 = tpu.memref_slice %arg7[%dma_start3A_483, %dma_start3A_484, %dma_start3A_485] : memref<2x112x128xf32, #tpu.memory_space<vmem>> -> memref<1x112x128xf32, #tpu.memory_space<vmem>>
      %dma_start3A_487 = tpu.memref_squeeze %dma_start3A_486 : memref<1x112x128xf32, #tpu.memory_space<vmem>> -> memref<112x128xf32, #tpu.memory_space<vmem>>
      %dma_start3A_488 = tpu.memref_slice %arg5[%multiple_of3A_482] : memref<10112xi32, #tpu.memory_space<vmem>> -> memref<112xi32, #tpu.memory_space<vmem>>
      %dma_start3A_489 = arith.constant 0 : i32
      %dma_start3A_490 = arith.constant 0 : i32
      %dma_start3A_491 = tpu.memref_slice %arg2[%dma_start3A_489, %dma_start3A_490] : memref<10000x128xf32, #tpu.memory_space<hbm>> -> memref<10000x128xf32, #tpu.memory_space<hbm>>
      tpu.enqueue_indirect_dma source(%dma_start3A_491 : memref<10000x128xf32, #tpu.memory_space<hbm>>) target(%dma_start3A_487 : memref<112x128xf32, #tpu.memory_space<vmem>>) offsets(%dma_start3A_488 : memref<112xi32, #tpu.memory_space<vmem>>) semaphore(%arg9 : memref<!tpu.dma_semaphore, #tpu.memory_space<semaphore_mem>>)
      %add3A_492 = arith.constant 3 : i32
      %add3A_493 = arith.addi %mul3A_329, %add3A_492 : i32
      %add3A_494 = arith.constant 0 : i32
      %add3A_495 = arith.addi %rem3A_5, %add3A_494 : i32
      %multiple_of3A_496 = tpu.assume_multiple %add3A_495, 16 : i32
      %dma_wait3A_497 = arith.constant 1 : i32
      %dma_wait3A_498 = arith.constant 0 : i32
      %dma_wait3A_499 = arith.constant 0 : i32
      %dma_wait3A_500 = tpu.memref_slice %arg7[%dma_wait3A_497, %dma_wait3A_498, %dma_wait3A_499] : memref<2x112x128xf32, #tpu.memory_space<vmem>> -> memref<1x112x128xf32, #tpu.memory_space<vmem>>
      %dma_wait3A_501 = tpu.memref_squeeze %dma_wait3A_500 : memref<1x112x128xf32, #tpu.memory_space<vmem>> -> memref<112x128xf32, #tpu.memory_space<vmem>>
      %dma_wait3A_502 = tpu.memref_slice %arg5[%multiple_of3A_496] : memref<10112xi32, #tpu.memory_space<vmem>> -> memref<112xi32, #tpu.memory_space<vmem>>
      %dma_wait3A_503 = arith.constant 0 : i32
      %dma_wait3A_504 = arith.constant 0 : i32
      %dma_wait3A_505 = tpu.memref_slice %arg2[%dma_wait3A_503, %dma_wait3A_504] : memref<10000x128xf32, #tpu.memory_space<hbm>> -> memref<10000x128xf32, #tpu.memory_space<hbm>>
      tpu.wait_indirect_dma semaphore(%arg10 : memref<!tpu.dma_semaphore, #tpu.memory_space<semaphore_mem>>) src(%dma_wait3A_505 : memref<10000x128xf32, #tpu.memory_space<hbm>>) dst(%dma_wait3A_501 : memref<112x128xf32, #tpu.memory_space<vmem>>)
      %mul3A_506 = arith.constant 112 : i32
      %mul3A_507 = arith.muli %add3A_493, %mul3A_506 : i32
      %add3A_508 = arith.addi %rem3A_5, %mul3A_507 : i32
      %multiple_of3A_509 = tpu.assume_multiple %add3A_508, 16 : i32
      %dma_start3A_510 = arith.constant 1 : i32
      %dma_start3A_511 = arith.constant 0 : i32
      %dma_start3A_512 = arith.constant 0 : i32
      %dma_start3A_513 = tpu.memref_slice %arg7[%dma_start3A_510, %dma_start3A_511, %dma_start3A_512] : memref<2x112x128xf32, #tpu.memory_space<vmem>> -> memref<1x112x128xf32, #tpu.memory_space<vmem>>
      %dma_start3A_514 = tpu.memref_squeeze %dma_start3A_513 : memref<1x112x128xf32, #tpu.memory_space<vmem>> -> memref<112x128xf32, #tpu.memory_space<vmem>>
      %dma_start3A_515 = tpu.memref_slice %arg6[%multiple_of3A_509] : memref<10112xi32, #tpu.memory_space<vmem>> -> memref<112xi32, #tpu.memory_space<vmem>>
      %dma_start3A_516 = arith.constant 0 : i32
      %dma_start3A_517 = arith.constant 0 : i32
      %dma_start3A_518 = tpu.memref_slice %arg8[%dma_start3A_516, %dma_start3A_517] : memref<10000x128xf32, #tpu.memory_space<vmem_shared>> -> memref<10000x128xf32, #tpu.memory_space<vmem_shared>>
      tpu.enqueue_indirect_dma source(%dma_start3A_514 : memref<112x128xf32, #tpu.memory_space<vmem>>) target(%dma_start3A_518 : memref<10000x128xf32, #tpu.memory_space<vmem_shared>>) offsets(%dma_start3A_515 : memref<112xi32, #tpu.memory_space<vmem>>) semaphore(%arg12 : memref<!tpu.dma_semaphore, #tpu.memory_space<semaphore_mem>>) {add = true}
      %add3A_519 = arith.constant 0 : i32
      %add3A_520 = arith.addi %rem3A_5, %add3A_519 : i32
      %multiple_of3A_521 = tpu.assume_multiple %add3A_520, 16 : i32
      %dma_wait3A_522 = arith.constant 1 : i32
      %dma_wait3A_523 = arith.constant 0 : i32
      %dma_wait3A_524 = arith.constant 0 : i32
      %dma_wait3A_525 = tpu.memref_slice %arg7[%dma_wait3A_522, %dma_wait3A_523, %dma_wait3A_524] : memref<2x112x128xf32, #tpu.memory_space<vmem>> -> memref<1x112x128xf32, #tpu.memory_space<vmem>>
      %dma_wait3A_526 = tpu.memref_squeeze %dma_wait3A_525 : memref<1x112x128xf32, #tpu.memory_space<vmem>> -> memref<112x128xf32, #tpu.memory_space<vmem>>
      %dma_wait3A_527 = tpu.memref_slice %arg6[%multiple_of3A_521] : memref<10112xi32, #tpu.memory_space<vmem>> -> memref<112xi32, #tpu.memory_space<vmem>>
      %dma_wait3A_528 = arith.constant 0 : i32
      %dma_wait3A_529 = arith.constant 0 : i32
      %dma_wait3A_530 = tpu.memref_slice %arg8[%dma_wait3A_528, %dma_wait3A_529] : memref<10000x128xf32, #tpu.memory_space<vmem_shared>> -> memref<10000x128xf32, #tpu.memory_space<vmem_shared>>
      tpu.wait_indirect_dma semaphore(%arg12 : memref<!tpu.dma_semaphore, #tpu.memory_space<semaphore_mem>>) src(%dma_wait3A_526 : memref<112x128xf32, #tpu.memory_space<vmem>>) dst(%dma_wait3A_530 : memref<10000x128xf32, #tpu.memory_space<vmem_shared>>)
      %add3A_531 = arith.constant 2 : i32
      %add3A_532 = arith.addi %add3A_493, %add3A_531 : i32
      %mul3A_533 = arith.constant 112 : i32
      %mul3A_534 = arith.muli %add3A_532, %mul3A_533 : i32
      %add3A_535 = arith.addi %rem3A_5, %mul3A_534 : i32
      %multiple_of3A_536 = tpu.assume_multiple %add3A_535, 16 : i32
      %dma_start3A_537 = arith.constant 1 : i32
      %dma_start3A_538 = arith.constant 0 : i32
      %dma_start3A_539 = arith.constant 0 : i32
      %dma_start3A_540 = tpu.memref_slice %arg7[%dma_start3A_537, %dma_start3A_538, %dma_start3A_539] : memref<2x112x128xf32, #tpu.memory_space<vmem>> -> memref<1x112x128xf32, #tpu.memory_space<vmem>>
      %dma_start3A_541 = tpu.memref_squeeze %dma_start3A_540 : memref<1x112x128xf32, #tpu.memory_space<vmem>> -> memref<112x128xf32, #tpu.memory_space<vmem>>
      %dma_start3A_542 = tpu.memref_slice %arg5[%multiple_of3A_536] : memref<10112xi32, #tpu.memory_space<vmem>> -> memref<112xi32, #tpu.memory_space<vmem>>
      %dma_start3A_543 = arith.constant 0 : i32
      %dma_start3A_544 = arith.constant 0 : i32
      %dma_start3A_545 = tpu.memref_slice %arg2[%dma_start3A_543, %dma_start3A_544] : memref<10000x128xf32, #tpu.memory_space<hbm>> -> memref<10000x128xf32, #tpu.memory_space<hbm>>
      tpu.enqueue_indirect_dma source(%dma_start3A_545 : memref<10000x128xf32, #tpu.memory_space<hbm>>) target(%dma_start3A_541 : memref<112x128xf32, #tpu.memory_space<vmem>>) offsets(%dma_start3A_542 : memref<112xi32, #tpu.memory_space<vmem>>) semaphore(%arg10 : memref<!tpu.dma_semaphore, #tpu.memory_space<semaphore_mem>>)
    }
    %scan3A_63 = arith.constant 21 : i32
    %add3A_64 = arith.constant 0 : i32
    %add3A_65 = arith.addi %rem3A_5, %add3A_64 : i32
    %multiple_of3A_66 = tpu.assume_multiple %add3A_65, 16 : i32
    %dma_wait3A_67 = arith.constant 0 : i32
    %dma_wait3A_68 = arith.constant 0 : i32
    %dma_wait3A_69 = arith.constant 0 : i32
    %dma_wait3A_70 = tpu.memref_slice %arg7[%dma_wait3A_67, %dma_wait3A_68, %dma_wait3A_69] : memref<2x112x128xf32, #tpu.memory_space<vmem>> -> memref<1x112x128xf32, #tpu.memory_space<vmem>>
    %dma_wait3A_71 = tpu.memref_squeeze %dma_wait3A_70 : memref<1x112x128xf32, #tpu.memory_space<vmem>> -> memref<112x128xf32, #tpu.memory_space<vmem>>
    %dma_wait3A_72 = tpu.memref_slice %arg5[%multiple_of3A_66] : memref<10112xi32, #tpu.memory_space<vmem>> -> memref<112xi32, #tpu.memory_space<vmem>>
    %dma_wait3A_73 = arith.constant 0 : i32
    %dma_wait3A_74 = arith.constant 0 : i32
    %dma_wait3A_75 = tpu.memref_slice %arg2[%dma_wait3A_73, %dma_wait3A_74] : memref<10000x128xf32, #tpu.memory_space<hbm>> -> memref<10000x128xf32, #tpu.memory_space<hbm>>
    tpu.wait_indirect_dma semaphore(%arg9 : memref<!tpu.dma_semaphore, #tpu.memory_space<semaphore_mem>>) src(%dma_wait3A_75 : memref<10000x128xf32, #tpu.memory_space<hbm>>) dst(%dma_wait3A_71 : memref<112x128xf32, #tpu.memory_space<vmem>>)
    %add3A_76 = arith.constant 9408 : i32
    %add3A_77 = arith.addi %rem3A_5, %add3A_76 : i32
    %multiple_of3A_78 = tpu.assume_multiple %add3A_77, 16 : i32
    %dma_start3A_79 = arith.constant 0 : i32
    %dma_start3A_80 = arith.constant 0 : i32
    %dma_start3A_81 = arith.constant 0 : i32
    %dma_start3A_82 = tpu.memref_slice %arg7[%dma_start3A_79, %dma_start3A_80, %dma_start3A_81] : memref<2x112x128xf32, #tpu.memory_space<vmem>> -> memref<1x112x128xf32, #tpu.memory_space<vmem>>
    %dma_start3A_83 = tpu.memref_squeeze %dma_start3A_82 : memref<1x112x128xf32, #tpu.memory_space<vmem>> -> memref<112x128xf32, #tpu.memory_space<vmem>>
    %dma_start3A_84 = tpu.memref_slice %arg6[%multiple_of3A_78] : memref<10112xi32, #tpu.memory_space<vmem>> -> memref<112xi32, #tpu.memory_space<vmem>>
    %dma_start3A_85 = arith.constant 0 : i32
    %dma_start3A_86 = arith.constant 0 : i32
    %dma_start3A_87 = tpu.memref_slice %arg8[%dma_start3A_85, %dma_start3A_86] : memref<10000x128xf32, #tpu.memory_space<vmem_shared>> -> memref<10000x128xf32, #tpu.memory_space<vmem_shared>>
    tpu.enqueue_indirect_dma source(%dma_start3A_83 : memref<112x128xf32, #tpu.memory_space<vmem>>) target(%dma_start3A_87 : memref<10000x128xf32, #tpu.memory_space<vmem_shared>>) offsets(%dma_start3A_84 : memref<112xi32, #tpu.memory_space<vmem>>) semaphore(%arg11 : memref<!tpu.dma_semaphore, #tpu.memory_space<semaphore_mem>>) {add = true}
    %add3A_88 = arith.constant 0 : i32
    %add3A_89 = arith.addi %rem3A_5, %add3A_88 : i32
    %multiple_of3A_90 = tpu.assume_multiple %add3A_89, 16 : i32
    %dma_wait3A_91 = arith.constant 0 : i32
    %dma_wait3A_92 = arith.constant 0 : i32
    %dma_wait3A_93 = arith.constant 0 : i32
    %dma_wait3A_94 = tpu.memref_slice %arg7[%dma_wait3A_91, %dma_wait3A_92, %dma_wait3A_93] : memref<2x112x128xf32, #tpu.memory_space<vmem>> -> memref<1x112x128xf32, #tpu.memory_space<vmem>>
    %dma_wait3A_95 = tpu.memref_squeeze %dma_wait3A_94 : memref<1x112x128xf32, #tpu.memory_space<vmem>> -> memref<112x128xf32, #tpu.memory_space<vmem>>
    %dma_wait3A_96 = tpu.memref_slice %arg6[%multiple_of3A_90] : memref<10112xi32, #tpu.memory_space<vmem>> -> memref<112xi32, #tpu.memory_space<vmem>>
    %dma_wait3A_97 = arith.constant 0 : i32
    %dma_wait3A_98 = arith.constant 0 : i32
    %dma_wait3A_99 = tpu.memref_slice %arg8[%dma_wait3A_97, %dma_wait3A_98] : memref<10000x128xf32, #tpu.memory_space<vmem_shared>> -> memref<10000x128xf32, #tpu.memory_space<vmem_shared>>
    tpu.wait_indirect_dma semaphore(%arg11 : memref<!tpu.dma_semaphore, #tpu.memory_space<semaphore_mem>>) src(%dma_wait3A_95 : memref<112x128xf32, #tpu.memory_space<vmem>>) dst(%dma_wait3A_99 : memref<10000x128xf32, #tpu.memory_space<vmem_shared>>)
    %add3A_100 = arith.constant 9632 : i32
    %add3A_101 = arith.addi %rem3A_5, %add3A_100 : i32
    %multiple_of3A_102 = tpu.assume_multiple %add3A_101, 16 : i32
    %dma_start3A_103 = arith.constant 0 : i32
    %dma_start3A_104 = arith.constant 0 : i32
    %dma_start3A_105 = arith.constant 0 : i32
    %dma_start3A_106 = tpu.memref_slice %arg7[%dma_start3A_103, %dma_start3A_104, %dma_start3A_105] : memref<2x112x128xf32, #tpu.memory_space<vmem>> -> memref<1x112x128xf32, #tpu.memory_space<vmem>>
    %dma_start3A_107 = tpu.memref_squeeze %dma_start3A_106 : memref<1x112x128xf32, #tpu.memory_space<vmem>> -> memref<112x128xf32, #tpu.memory_space<vmem>>
    %dma_start3A_108 = tpu.memref_slice %arg5[%multiple_of3A_102] : memref<10112xi32, #tpu.memory_space<vmem>> -> memref<112xi32, #tpu.memory_space<vmem>>
    %dma_start3A_109 = arith.constant 0 : i32
    %dma_start3A_110 = arith.constant 0 : i32
    %dma_start3A_111 = tpu.memref_slice %arg2[%dma_start3A_109, %dma_start3A_110] : memref<10000x128xf32, #tpu.memory_space<hbm>> -> memref<10000x128xf32, #tpu.memory_space<hbm>>
    tpu.enqueue_indirect_dma source(%dma_start3A_111 : memref<10000x128xf32, #tpu.memory_space<hbm>>) target(%dma_start3A_107 : memref<112x128xf32, #tpu.memory_space<vmem>>) offsets(%dma_start3A_108 : memref<112xi32, #tpu.memory_space<vmem>>) semaphore(%arg9 : memref<!tpu.dma_semaphore, #tpu.memory_space<semaphore_mem>>)
    %add3A_112 = arith.constant 0 : i32
    %add3A_113 = arith.addi %rem3A_5, %add3A_112 : i32
    %multiple_of3A_114 = tpu.assume_multiple %add3A_113, 16 : i32
    %dma_wait3A_115 = arith.constant 1 : i32
    %dma_wait3A_116 = arith.constant 0 : i32
    %dma_wait3A_117 = arith.constant 0 : i32
    %dma_wait3A_118 = tpu.memref_slice %arg7[%dma_wait3A_115, %dma_wait3A_116, %dma_wait3A_117] : memref<2x112x128xf32, #tpu.memory_space<vmem>> -> memref<1x112x128xf32, #tpu.memory_space<vmem>>
    %dma_wait3A_119 = tpu.memref_squeeze %dma_wait3A_118 : memref<1x112x128xf32, #tpu.memory_space<vmem>> -> memref<112x128xf32, #tpu.memory_space<vmem>>
    %dma_wait3A_120 = tpu.memref_slice %arg5[%multiple_of3A_114] : memref<10112xi32, #tpu.memory_space<vmem>> -> memref<112xi32, #tpu.memory_space<vmem>>
    %dma_wait3A_121 = arith.constant 0 : i32
    %dma_wait3A_122 = arith.constant 0 : i32
    %dma_wait3A_123 = tpu.memref_slice %arg2[%dma_wait3A_121, %dma_wait3A_122] : memref<10000x128xf32, #tpu.memory_space<hbm>> -> memref<10000x128xf32, #tpu.memory_space<hbm>>
    tpu.wait_indirect_dma semaphore(%arg10 : memref<!tpu.dma_semaphore, #tpu.memory_space<semaphore_mem>>) src(%dma_wait3A_123 : memref<10000x128xf32, #tpu.memory_space<hbm>>) dst(%dma_wait3A_119 : memref<112x128xf32, #tpu.memory_space<vmem>>)
    %add3A_124 = arith.constant 9520 : i32
    %add3A_125 = arith.addi %rem3A_5, %add3A_124 : i32
    %multiple_of3A_126 = tpu.assume_multiple %add3A_125, 16 : i32
    %dma_start3A_127 = arith.constant 1 : i32
    %dma_start3A_128 = arith.constant 0 : i32
    %dma_start3A_129 = arith.constant 0 : i32
    %dma_start3A_130 = tpu.memref_slice %arg7[%dma_start3A_127, %dma_start3A_128, %dma_start3A_129] : memref<2x112x128xf32, #tpu.memory_space<vmem>> -> memref<1x112x128xf32, #tpu.memory_space<vmem>>
    %dma_start3A_131 = tpu.memref_squeeze %dma_start3A_130 : memref<1x112x128xf32, #tpu.memory_space<vmem>> -> memref<112x128xf32, #tpu.memory_space<vmem>>
    %dma_start3A_132 = tpu.memref_slice %arg6[%multiple_of3A_126] : memref<10112xi32, #tpu.memory_space<vmem>> -> memref<112xi32, #tpu.memory_space<vmem>>
    %dma_start3A_133 = arith.constant 0 : i32
    %dma_start3A_134 = arith.constant 0 : i32
    %dma_start3A_135 = tpu.memref_slice %arg8[%dma_start3A_133, %dma_start3A_134] : memref<10000x128xf32, #tpu.memory_space<vmem_shared>> -> memref<10000x128xf32, #tpu.memory_space<vmem_shared>>
    tpu.enqueue_indirect_dma source(%dma_start3A_131 : memref<112x128xf32, #tpu.memory_space<vmem>>) target(%dma_start3A_135 : memref<10000x128xf32, #tpu.memory_space<vmem_shared>>) offsets(%dma_start3A_132 : memref<112xi32, #tpu.memory_space<vmem>>) semaphore(%arg12 : memref<!tpu.dma_semaphore, #tpu.memory_space<semaphore_mem>>) {add = true}
    %add3A_136 = arith.constant 0 : i32
    %add3A_137 = arith.addi %rem3A_5, %add3A_136 : i32
    %multiple_of3A_138 = tpu.assume_multiple %add3A_137, 16 : i32
    %dma_wait3A_139 = arith.constant 1 : i32
    %dma_wait3A_140 = arith.constant 0 : i32
    %dma_wait3A_141 = arith.constant 0 : i32
    %dma_wait3A_142 = tpu.memref_slice %arg7[%dma_wait3A_139, %dma_wait3A_140, %dma_wait3A_141] : memref<2x112x128xf32, #tpu.memory_space<vmem>> -> memref<1x112x128xf32, #tpu.memory_space<vmem>>
    %dma_wait3A_143 = tpu.memref_squeeze %dma_wait3A_142 : memref<1x112x128xf32, #tpu.memory_space<vmem>> -> memref<112x128xf32, #tpu.memory_space<vmem>>
    %dma_wait3A_144 = tpu.memref_slice %arg6[%multiple_of3A_138] : memref<10112xi32, #tpu.memory_space<vmem>> -> memref<112xi32, #tpu.memory_space<vmem>>
    %dma_wait3A_145 = arith.constant 0 : i32
    %dma_wait3A_146 = arith.constant 0 : i32
    %dma_wait3A_147 = tpu.memref_slice %arg8[%dma_wait3A_145, %dma_wait3A_146] : memref<10000x128xf32, #tpu.memory_space<vmem_shared>> -> memref<10000x128xf32, #tpu.memory_space<vmem_shared>>
    tpu.wait_indirect_dma semaphore(%arg12 : memref<!tpu.dma_semaphore, #tpu.memory_space<semaphore_mem>>) src(%dma_wait3A_143 : memref<112x128xf32, #tpu.memory_space<vmem>>) dst(%dma_wait3A_147 : memref<10000x128xf32, #tpu.memory_space<vmem_shared>>)
    %add3A_148 = arith.constant 9744 : i32
    %add3A_149 = arith.addi %rem3A_5, %add3A_148 : i32
    %multiple_of3A_150 = tpu.assume_multiple %add3A_149, 16 : i32
    %dma_start3A_151 = arith.constant 1 : i32
    %dma_start3A_152 = arith.constant 0 : i32
    %dma_start3A_153 = arith.constant 0 : i32
    %dma_start3A_154 = tpu.memref_slice %arg7[%dma_start3A_151, %dma_start3A_152, %dma_start3A_153] : memref<2x112x128xf32, #tpu.memory_space<vmem>> -> memref<1x112x128xf32, #tpu.memory_space<vmem>>
    %dma_start3A_155 = tpu.memref_squeeze %dma_start3A_154 : memref<1x112x128xf32, #tpu.memory_space<vmem>> -> memref<112x128xf32, #tpu.memory_space<vmem>>
    %dma_start3A_156 = tpu.memref_slice %arg5[%multiple_of3A_150] : memref<10112xi32, #tpu.memory_space<vmem>> -> memref<112xi32, #tpu.memory_space<vmem>>
    %dma_start3A_157 = arith.constant 0 : i32
    %dma_start3A_158 = arith.constant 0 : i32
    %dma_start3A_159 = tpu.memref_slice %arg2[%dma_start3A_157, %dma_start3A_158] : memref<10000x128xf32, #tpu.memory_space<hbm>> -> memref<10000x128xf32, #tpu.memory_space<hbm>>
    tpu.enqueue_indirect_dma source(%dma_start3A_159 : memref<10000x128xf32, #tpu.memory_space<hbm>>) target(%dma_start3A_155 : memref<112x128xf32, #tpu.memory_space<vmem>>) offsets(%dma_start3A_156 : memref<112xi32, #tpu.memory_space<vmem>>) semaphore(%arg10 : memref<!tpu.dma_semaphore, #tpu.memory_space<semaphore_mem>>)
    %add3A_160 = arith.constant 0 : i32
    %add3A_161 = arith.addi %rem3A_5, %add3A_160 : i32
    %multiple_of3A_162 = tpu.assume_multiple %add3A_161, 16 : i32
    %dma_wait3A_163 = arith.constant 0 : i32
    %dma_wait3A_164 = arith.constant 0 : i32
    %dma_wait3A_165 = arith.constant 0 : i32
    %dma_wait3A_166 = tpu.memref_slice %arg7[%dma_wait3A_163, %dma_wait3A_164, %dma_wait3A_165] : memref<2x112x128xf32, #tpu.memory_space<vmem>> -> memref<1x112x128xf32, #tpu.memory_space<vmem>>
    %dma_wait3A_167 = tpu.memref_squeeze %dma_wait3A_166 : memref<1x112x128xf32, #tpu.memory_space<vmem>> -> memref<112x128xf32, #tpu.memory_space<vmem>>
    %dma_wait3A_168 = tpu.memref_slice %arg5[%multiple_of3A_162] : memref<10112xi32, #tpu.memory_space<vmem>> -> memref<112xi32, #tpu.memory_space<vmem>>
    %dma_wait3A_169 = arith.constant 0 : i32
    %dma_wait3A_170 = arith.constant 0 : i32
    %dma_wait3A_171 = tpu.memref_slice %arg2[%dma_wait3A_169, %dma_wait3A_170] : memref<10000x128xf32, #tpu.memory_space<hbm>> -> memref<10000x128xf32, #tpu.memory_space<hbm>>
    tpu.wait_indirect_dma semaphore(%arg9 : memref<!tpu.dma_semaphore, #tpu.memory_space<semaphore_mem>>) src(%dma_wait3A_171 : memref<10000x128xf32, #tpu.memory_space<hbm>>) dst(%dma_wait3A_167 : memref<112x128xf32, #tpu.memory_space<vmem>>)
    %add3A_172 = arith.constant 9632 : i32
    %add3A_173 = arith.addi %rem3A_5, %add3A_172 : i32
    %multiple_of3A_174 = tpu.assume_multiple %add3A_173, 16 : i32
    %dma_start3A_175 = arith.constant 0 : i32
    %dma_start3A_176 = arith.constant 0 : i32
    %dma_start3A_177 = arith.constant 0 : i32
    %dma_start3A_178 = tpu.memref_slice %arg7[%dma_start3A_175, %dma_start3A_176, %dma_start3A_177] : memref<2x112x128xf32, #tpu.memory_space<vmem>> -> memref<1x112x128xf32, #tpu.memory_space<vmem>>
    %dma_start3A_179 = tpu.memref_squeeze %dma_start3A_178 : memref<1x112x128xf32, #tpu.memory_space<vmem>> -> memref<112x128xf32, #tpu.memory_space<vmem>>
    %dma_start3A_180 = tpu.memref_slice %arg6[%multiple_of3A_174] : memref<10112xi32, #tpu.memory_space<vmem>> -> memref<112xi32, #tpu.memory_space<vmem>>
    %dma_start3A_181 = arith.constant 0 : i32
    %dma_start3A_182 = arith.constant 0 : i32
    %dma_start3A_183 = tpu.memref_slice %arg8[%dma_start3A_181, %dma_start3A_182] : memref<10000x128xf32, #tpu.memory_space<vmem_shared>> -> memref<10000x128xf32, #tpu.memory_space<vmem_shared>>
    tpu.enqueue_indirect_dma source(%dma_start3A_179 : memref<112x128xf32, #tpu.memory_space<vmem>>) target(%dma_start3A_183 : memref<10000x128xf32, #tpu.memory_space<vmem_shared>>) offsets(%dma_start3A_180 : memref<112xi32, #tpu.memory_space<vmem>>) semaphore(%arg11 : memref<!tpu.dma_semaphore, #tpu.memory_space<semaphore_mem>>) {add = true}
    %add3A_184 = arith.constant 0 : i32
    %add3A_185 = arith.addi %rem3A_5, %add3A_184 : i32
    %multiple_of3A_186 = tpu.assume_multiple %add3A_185, 16 : i32
    %dma_wait3A_187 = arith.constant 0 : i32
    %dma_wait3A_188 = arith.constant 0 : i32
    %dma_wait3A_189 = arith.constant 0 : i32
    %dma_wait3A_190 = tpu.memref_slice %arg7[%dma_wait3A_187, %dma_wait3A_188, %dma_wait3A_189] : memref<2x112x128xf32, #tpu.memory_space<vmem>> -> memref<1x112x128xf32, #tpu.memory_space<vmem>>
    %dma_wait3A_191 = tpu.memref_squeeze %dma_wait3A_190 : memref<1x112x128xf32, #tpu.memory_space<vmem>> -> memref<112x128xf32, #tpu.memory_space<vmem>>
    %dma_wait3A_192 = tpu.memref_slice %arg6[%multiple_of3A_186] : memref<10112xi32, #tpu.memory_space<vmem>> -> memref<112xi32, #tpu.memory_space<vmem>>
    %dma_wait3A_193 = arith.constant 0 : i32
    %dma_wait3A_194 = arith.constant 0 : i32
    %dma_wait3A_195 = tpu.memref_slice %arg8[%dma_wait3A_193, %dma_wait3A_194] : memref<10000x128xf32, #tpu.memory_space<vmem_shared>> -> memref<10000x128xf32, #tpu.memory_space<vmem_shared>>
    tpu.wait_indirect_dma semaphore(%arg11 : memref<!tpu.dma_semaphore, #tpu.memory_space<semaphore_mem>>) src(%dma_wait3A_191 : memref<112x128xf32, #tpu.memory_space<vmem>>) dst(%dma_wait3A_195 : memref<10000x128xf32, #tpu.memory_space<vmem_shared>>)
    %add3A_196 = arith.constant 9856 : i32
    %add3A_197 = arith.addi %rem3A_5, %add3A_196 : i32
    %multiple_of3A_198 = tpu.assume_multiple %add3A_197, 16 : i32
    %dma_start3A_199 = arith.constant 0 : i32
    %dma_start3A_200 = arith.constant 0 : i32
    %dma_start3A_201 = arith.constant 0 : i32
    %dma_start3A_202 = tpu.memref_slice %arg7[%dma_start3A_199, %dma_start3A_200, %dma_start3A_201] : memref<2x112x128xf32, #tpu.memory_space<vmem>> -> memref<1x112x128xf32, #tpu.memory_space<vmem>>
    %dma_start3A_203 = tpu.memref_squeeze %dma_start3A_202 : memref<1x112x128xf32, #tpu.memory_space<vmem>> -> memref<112x128xf32, #tpu.memory_space<vmem>>
    %dma_start3A_204 = tpu.memref_slice %arg5[%multiple_of3A_198] : memref<10112xi32, #tpu.memory_space<vmem>> -> memref<112xi32, #tpu.memory_space<vmem>>
    %dma_start3A_205 = arith.constant 0 : i32
    %dma_start3A_206 = arith.constant 0 : i32
    %dma_start3A_207 = tpu.memref_slice %arg2[%dma_start3A_205, %dma_start3A_206] : memref<10000x128xf32, #tpu.memory_space<hbm>> -> memref<10000x128xf32, #tpu.memory_space<hbm>>
    tpu.enqueue_indirect_dma source(%dma_start3A_207 : memref<10000x128xf32, #tpu.memory_space<hbm>>) target(%dma_start3A_203 : memref<112x128xf32, #tpu.memory_space<vmem>>) offsets(%dma_start3A_204 : memref<112xi32, #tpu.memory_space<vmem>>) semaphore(%arg9 : memref<!tpu.dma_semaphore, #tpu.memory_space<semaphore_mem>>)
    %add3A_208 = arith.constant 0 : i32
    %add3A_209 = arith.addi %rem3A_5, %add3A_208 : i32
    %multiple_of3A_210 = tpu.assume_multiple %add3A_209, 16 : i32
    %dma_wait3A_211 = arith.constant 1 : i32
    %dma_wait3A_212 = arith.constant 0 : i32
    %dma_wait3A_213 = arith.constant 0 : i32
    %dma_wait3A_214 = tpu.memref_slice %arg7[%dma_wait3A_211, %dma_wait3A_212, %dma_wait3A_213] : memref<2x112x128xf32, #tpu.memory_space<vmem>> -> memref<1x112x128xf32, #tpu.memory_space<vmem>>
    %dma_wait3A_215 = tpu.memref_squeeze %dma_wait3A_214 : memref<1x112x128xf32, #tpu.memory_space<vmem>> -> memref<112x128xf32, #tpu.memory_space<vmem>>
    %dma_wait3A_216 = tpu.memref_slice %arg5[%multiple_of3A_210] : memref<10112xi32, #tpu.memory_space<vmem>> -> memref<112xi32, #tpu.memory_space<vmem>>
    %dma_wait3A_217 = arith.constant 0 : i32
    %dma_wait3A_218 = arith.constant 0 : i32
    %dma_wait3A_219 = tpu.memref_slice %arg2[%dma_wait3A_217, %dma_wait3A_218] : memref<10000x128xf32, #tpu.memory_space<hbm>> -> memref<10000x128xf32, #tpu.memory_space<hbm>>
    tpu.wait_indirect_dma semaphore(%arg10 : memref<!tpu.dma_semaphore, #tpu.memory_space<semaphore_mem>>) src(%dma_wait3A_219 : memref<10000x128xf32, #tpu.memory_space<hbm>>) dst(%dma_wait3A_215 : memref<112x128xf32, #tpu.memory_space<vmem>>)
    %add3A_220 = arith.constant 9744 : i32
    %add3A_221 = arith.addi %rem3A_5, %add3A_220 : i32
    %multiple_of3A_222 = tpu.assume_multiple %add3A_221, 16 : i32
    %dma_start3A_223 = arith.constant 1 : i32
    %dma_start3A_224 = arith.constant 0 : i32
    %dma_start3A_225 = arith.constant 0 : i32
    %dma_start3A_226 = tpu.memref_slice %arg7[%dma_start3A_223, %dma_start3A_224, %dma_start3A_225] : memref<2x112x128xf32, #tpu.memory_space<vmem>> -> memref<1x112x128xf32, #tpu.memory_space<vmem>>
    %dma_start3A_227 = tpu.memref_squeeze %dma_start3A_226 : memref<1x112x128xf32, #tpu.memory_space<vmem>> -> memref<112x128xf32, #tpu.memory_space<vmem>>
    %dma_start3A_228 = tpu.memref_slice %arg6[%multiple_of3A_222] : memref<10112xi32, #tpu.memory_space<vmem>> -> memref<112xi32, #tpu.memory_space<vmem>>
    %dma_start3A_229 = arith.constant 0 : i32
    %dma_start3A_230 = arith.constant 0 : i32
    %dma_start3A_231 = tpu.memref_slice %arg8[%dma_start3A_229, %dma_start3A_230] : memref<10000x128xf32, #tpu.memory_space<vmem_shared>> -> memref<10000x128xf32, #tpu.memory_space<vmem_shared>>
    tpu.enqueue_indirect_dma source(%dma_start3A_227 : memref<112x128xf32, #tpu.memory_space<vmem>>) target(%dma_start3A_231 : memref<10000x128xf32, #tpu.memory_space<vmem_shared>>) offsets(%dma_start3A_228 : memref<112xi32, #tpu.memory_space<vmem>>) semaphore(%arg12 : memref<!tpu.dma_semaphore, #tpu.memory_space<semaphore_mem>>) {add = true}
    %add3A_232 = arith.constant 0 : i32
    %add3A_233 = arith.addi %rem3A_5, %add3A_232 : i32
    %multiple_of3A_234 = tpu.assume_multiple %add3A_233, 16 : i32
    %dma_wait3A_235 = arith.constant 1 : i32
    %dma_wait3A_236 = arith.constant 0 : i32
    %dma_wait3A_237 = arith.constant 0 : i32
    %dma_wait3A_238 = tpu.memref_slice %arg7[%dma_wait3A_235, %dma_wait3A_236, %dma_wait3A_237] : memref<2x112x128xf32, #tpu.memory_space<vmem>> -> memref<1x112x128xf32, #tpu.memory_space<vmem>>
    %dma_wait3A_239 = tpu.memref_squeeze %dma_wait3A_238 : memref<1x112x128xf32, #tpu.memory_space<vmem>> -> memref<112x128xf32, #tpu.memory_space<vmem>>
    %dma_wait3A_240 = tpu.memref_slice %arg6[%multiple_of3A_234] : memref<10112xi32, #tpu.memory_space<vmem>> -> memref<112xi32, #tpu.memory_space<vmem>>
    %dma_wait3A_241 = arith.constant 0 : i32
    %dma_wait3A_242 = arith.constant 0 : i32
    %dma_wait3A_243 = tpu.memref_slice %arg8[%dma_wait3A_241, %dma_wait3A_242] : memref<10000x128xf32, #tpu.memory_space<vmem_shared>> -> memref<10000x128xf32, #tpu.memory_space<vmem_shared>>
    tpu.wait_indirect_dma semaphore(%arg12 : memref<!tpu.dma_semaphore, #tpu.memory_space<semaphore_mem>>) src(%dma_wait3A_239 : memref<112x128xf32, #tpu.memory_space<vmem>>) dst(%dma_wait3A_243 : memref<10000x128xf32, #tpu.memory_space<vmem_shared>>)
    %dma_start3A_244 = arith.constant 1 : i32
    %dma_start3A_245 = arith.constant 0 : i32
    %dma_start3A_246 = arith.constant 0 : i32
    %dma_start3A_247 = tpu.memref_slice %arg7[%dma_start3A_244, %dma_start3A_245, %dma_start3A_246] : memref<2x112x128xf32, #tpu.memory_space<vmem>> -> memref<1x32x128xf32, #tpu.memory_space<vmem>>
    %dma_start3A_248 = tpu.memref_squeeze %dma_start3A_247 : memref<1x32x128xf32, #tpu.memory_space<vmem>> -> memref<32x128xf32, #tpu.memory_space<vmem>>
    %dma_start3A_249 = tpu.memref_slice %arg5[%multiple_of3A_25] : memref<10112xi32, #tpu.memory_space<vmem>> -> memref<32xi32, #tpu.memory_space<vmem>>
    %dma_start3A_250 = arith.constant 0 : i32
    %dma_start3A_251 = arith.constant 0 : i32
    %dma_start3A_252 = tpu.memref_slice %arg2[%dma_start3A_250, %dma_start3A_251] : memref<10000x128xf32, #tpu.memory_space<hbm>> -> memref<10000x128xf32, #tpu.memory_space<hbm>>
    tpu.enqueue_indirect_dma source(%dma_start3A_252 : memref<10000x128xf32, #tpu.memory_space<hbm>>) target(%dma_start3A_248 : memref<32x128xf32, #tpu.memory_space<vmem>>) offsets(%dma_start3A_249 : memref<32xi32, #tpu.memory_space<vmem>>) semaphore(%arg10 : memref<!tpu.dma_semaphore, #tpu.memory_space<semaphore_mem>>)
    %add3A_253 = arith.constant 0 : i32
    %add3A_254 = arith.addi %rem3A_5, %add3A_253 : i32
    %multiple_of3A_255 = tpu.assume_multiple %add3A_254, 16 : i32
    %dma_wait3A_256 = arith.constant 0 : i32
    %dma_wait3A_257 = arith.constant 0 : i32
    %dma_wait3A_258 = arith.constant 0 : i32
    %dma_wait3A_259 = tpu.memref_slice %arg7[%dma_wait3A_256, %dma_wait3A_257, %dma_wait3A_258] : memref<2x112x128xf32, #tpu.memory_space<vmem>> -> memref<1x112x128xf32, #tpu.memory_space<vmem>>
    %dma_wait3A_260 = tpu.memref_squeeze %dma_wait3A_259 : memref<1x112x128xf32, #tpu.memory_space<vmem>> -> memref<112x128xf32, #tpu.memory_space<vmem>>
    %dma_wait3A_261 = tpu.memref_slice %arg5[%multiple_of3A_255] : memref<10112xi32, #tpu.memory_space<vmem>> -> memref<112xi32, #tpu.memory_space<vmem>>
    %dma_wait3A_262 = arith.constant 0 : i32
    %dma_wait3A_263 = arith.constant 0 : i32
    %dma_wait3A_264 = tpu.memref_slice %arg2[%dma_wait3A_262, %dma_wait3A_263] : memref<10000x128xf32, #tpu.memory_space<hbm>> -> memref<10000x128xf32, #tpu.memory_space<hbm>>
    tpu.wait_indirect_dma semaphore(%arg9 : memref<!tpu.dma_semaphore, #tpu.memory_space<semaphore_mem>>) src(%dma_wait3A_264 : memref<10000x128xf32, #tpu.memory_space<hbm>>) dst(%dma_wait3A_260 : memref<112x128xf32, #tpu.memory_space<vmem>>)
    %add3A_265 = arith.constant 9856 : i32
    %add3A_266 = arith.addi %rem3A_5, %add3A_265 : i32
    %multiple_of3A_267 = tpu.assume_multiple %add3A_266, 16 : i32
    %dma_start3A_268 = arith.constant 0 : i32
    %dma_start3A_269 = arith.constant 0 : i32
    %dma_start3A_270 = arith.constant 0 : i32
    %dma_start3A_271 = tpu.memref_slice %arg7[%dma_start3A_268, %dma_start3A_269, %dma_start3A_270] : memref<2x112x128xf32, #tpu.memory_space<vmem>> -> memref<1x112x128xf32, #tpu.memory_space<vmem>>
    %dma_start3A_272 = tpu.memref_squeeze %dma_start3A_271 : memref<1x112x128xf32, #tpu.memory_space<vmem>> -> memref<112x128xf32, #tpu.memory_space<vmem>>
    %dma_start3A_273 = tpu.memref_slice %arg6[%multiple_of3A_267] : memref<10112xi32, #tpu.memory_space<vmem>> -> memref<112xi32, #tpu.memory_space<vmem>>
    %dma_start3A_274 = arith.constant 0 : i32
    %dma_start3A_275 = arith.constant 0 : i32
    %dma_start3A_276 = tpu.memref_slice %arg8[%dma_start3A_274, %dma_start3A_275] : memref<10000x128xf32, #tpu.memory_space<vmem_shared>> -> memref<10000x128xf32, #tpu.memory_space<vmem_shared>>
    tpu.enqueue_indirect_dma source(%dma_start3A_272 : memref<112x128xf32, #tpu.memory_space<vmem>>) target(%dma_start3A_276 : memref<10000x128xf32, #tpu.memory_space<vmem_shared>>) offsets(%dma_start3A_273 : memref<112xi32, #tpu.memory_space<vmem>>) semaphore(%arg11 : memref<!tpu.dma_semaphore, #tpu.memory_space<semaphore_mem>>) {add = true}
    %dma_wait3A_277 = arith.constant 1 : i32
    %dma_wait3A_278 = arith.constant 0 : i32
    %dma_wait3A_279 = arith.constant 0 : i32
    %dma_wait3A_280 = tpu.memref_slice %arg7[%dma_wait3A_277, %dma_wait3A_278, %dma_wait3A_279] : memref<2x112x128xf32, #tpu.memory_space<vmem>> -> memref<1x32x128xf32, #tpu.memory_space<vmem>>
    %dma_wait3A_281 = tpu.memref_squeeze %dma_wait3A_280 : memref<1x32x128xf32, #tpu.memory_space<vmem>> -> memref<32x128xf32, #tpu.memory_space<vmem>>
    %dma_wait3A_282 = tpu.memref_slice %arg5[%multiple_of3A_25] : memref<10112xi32, #tpu.memory_space<vmem>> -> memref<32xi32, #tpu.memory_space<vmem>>
    %dma_wait3A_283 = arith.constant 0 : i32
    %dma_wait3A_284 = arith.constant 0 : i32
    %dma_wait3A_285 = tpu.memref_slice %arg2[%dma_wait3A_283, %dma_wait3A_284] : memref<10000x128xf32, #tpu.memory_space<hbm>> -> memref<10000x128xf32, #tpu.memory_space<hbm>>
    tpu.wait_indirect_dma semaphore(%arg10 : memref<!tpu.dma_semaphore, #tpu.memory_space<semaphore_mem>>) src(%dma_wait3A_285 : memref<10000x128xf32, #tpu.memory_space<hbm>>) dst(%dma_wait3A_281 : memref<32x128xf32, #tpu.memory_space<vmem>>)
    %dma_start3A_286 = arith.constant 1 : i32
    %dma_start3A_287 = arith.constant 0 : i32
    %dma_start3A_288 = arith.constant 0 : i32
    %dma_start3A_289 = tpu.memref_slice %arg7[%dma_start3A_286, %dma_start3A_287, %dma_start3A_288] : memref<2x112x128xf32, #tpu.memory_space<vmem>> -> memref<1x32x128xf32, #tpu.memory_space<vmem>>
    %dma_start3A_290 = tpu.memref_squeeze %dma_start3A_289 : memref<1x32x128xf32, #tpu.memory_space<vmem>> -> memref<32x128xf32, #tpu.memory_space<vmem>>
    %dma_start3A_291 = tpu.memref_slice %arg6[%multiple_of3A_25] : memref<10112xi32, #tpu.memory_space<vmem>> -> memref<32xi32, #tpu.memory_space<vmem>>
    %dma_start3A_292 = arith.constant 0 : i32
    %dma_start3A_293 = arith.constant 0 : i32
    %dma_start3A_294 = tpu.memref_slice %arg8[%dma_start3A_292, %dma_start3A_293] : memref<10000x128xf32, #tpu.memory_space<vmem_shared>> -> memref<10000x128xf32, #tpu.memory_space<vmem_shared>>
    tpu.enqueue_indirect_dma source(%dma_start3A_290 : memref<32x128xf32, #tpu.memory_space<vmem>>) target(%dma_start3A_294 : memref<10000x128xf32, #tpu.memory_space<vmem_shared>>) offsets(%dma_start3A_291 : memref<32xi32, #tpu.memory_space<vmem>>) semaphore(%arg12 : memref<!tpu.dma_semaphore, #tpu.memory_space<semaphore_mem>>) {add = true}
    %add3A_295 = arith.constant 0 : i32
    %add3A_296 = arith.addi %rem3A_5, %add3A_295 : i32
    %multiple_of3A_297 = tpu.assume_multiple %add3A_296, 16 : i32
    %dma_wait3A_298 = arith.constant 0 : i32
    %dma_wait3A_299 = arith.constant 0 : i32
    %dma_wait3A_300 = arith.constant 0 : i32
    %dma_wait3A_301 = tpu.memref_slice %arg7[%dma_wait3A_298, %dma_wait3A_299, %dma_wait3A_300] : memref<2x112x128xf32, #tpu.memory_space<vmem>> -> memref<1x112x128xf32, #tpu.memory_space<vmem>>
    %dma_wait3A_302 = tpu.memref_squeeze %dma_wait3A_301 : memref<1x112x128xf32, #tpu.memory_space<vmem>> -> memref<112x128xf32, #tpu.memory_space<vmem>>
    %dma_wait3A_303 = tpu.memref_slice %arg6[%multiple_of3A_297] : memref<10112xi32, #tpu.memory_space<vmem>> -> memref<112xi32, #tpu.memory_space<vmem>>
    %dma_wait3A_304 = arith.constant 0 : i32
    %dma_wait3A_305 = arith.constant 0 : i32
    %dma_wait3A_306 = tpu.memref_slice %arg8[%dma_wait3A_304, %dma_wait3A_305] : memref<10000x128xf32, #tpu.memory_space<vmem_shared>> -> memref<10000x128xf32, #tpu.memory_space<vmem_shared>>
    tpu.wait_indirect_dma semaphore(%arg11 : memref<!tpu.dma_semaphore, #tpu.memory_space<semaphore_mem>>) src(%dma_wait3A_302 : memref<112x128xf32, #tpu.memory_space<vmem>>) dst(%dma_wait3A_306 : memref<10000x128xf32, #tpu.memory_space<vmem_shared>>)
    %dma_wait3A_307 = arith.constant 1 : i32
    %dma_wait3A_308 = arith.constant 0 : i32
    %dma_wait3A_309 = arith.constant 0 : i32
    %dma_wait3A_310 = tpu.memref_slice %arg7[%dma_wait3A_307, %dma_wait3A_308, %dma_wait3A_309] : memref<2x112x128xf32, #tpu.memory_space<vmem>> -> memref<1x32x128xf32, #tpu.memory_space<vmem>>
    %dma_wait3A_311 = tpu.memref_squeeze %dma_wait3A_310 : memref<1x32x128xf32, #tpu.memory_space<vmem>> -> memref<32x128xf32, #tpu.memory_space<vmem>>
    %dma_wait3A_312 = tpu.memref_slice %arg6[%multiple_of3A_25] : memref<10112xi32, #tpu.memory_space<vmem>> -> memref<32xi32, #tpu.memory_space<vmem>>
    %dma_wait3A_313 = arith.constant 0 : i32
    %dma_wait3A_314 = arith.constant 0 : i32
    %dma_wait3A_315 = tpu.memref_slice %arg8[%dma_wait3A_313, %dma_wait3A_314] : memref<10000x128xf32, #tpu.memory_space<vmem_shared>> -> memref<10000x128xf32, #tpu.memory_space<vmem_shared>>
    tpu.wait_indirect_dma semaphore(%arg12 : memref<!tpu.dma_semaphore, #tpu.memory_space<semaphore_mem>>) src(%dma_wait3A_311 : memref<32x128xf32, #tpu.memory_space<vmem>>) dst(%dma_wait3A_315 : memref<10000x128xf32, #tpu.memory_space<vmem_shared>>)
    %barrier3A_316 = arith.constant 0 : index
    tpu.barrier barrier_id(%barrier3A_316)
    %lt3A_317 = arith.constant 15 : i32
    %lt3A_318 = arith.cmpi slt, %arg1, %lt3A_317 : i32
    %convert_element_type3A_319 = arith.extui %lt3A_318 : i1 to i32
    %cond3A_320 = arith.constant 0 : i32
    %cond3A_321 = arith.cmpi ne, %convert_element_type3A_319, %cond3A_320 : i32
    scf.if %cond3A_321 {
      %mul3A_327 = arith.constant 10000 : i32
      %mul3A_328 = arith.muli %arg0, %mul3A_327 : i32
      %add3A_329 = arith.addi %mul3A_328, %mul3A_2 : i32
      "tpu.region"() ({
        %run_scoped3A = tpu.sem_alloc : memref<!tpu.dma_semaphore, #tpu.memory_space<semaphore_mem>>
        %dma_start3A_330 = arith.constant 0 : i32
        %dma_start3A_331 = tpu.memref_slice %arg4[%add3A_329, %dma_start3A_330] : memref<20000x128xf32, #tpu.memory_space<hbm>> -> memref<624x128xf32, #tpu.memory_space<hbm>>
        %dma_start3A_332 = arith.constant 0 : i32
        %dma_start3A_333 = tpu.memref_slice %arg8[%mul3A_2, %dma_start3A_332] : memref<10000x128xf32, #tpu.memory_space<vmem_shared>> -> memref<624x128xf32, #tpu.memory_space<vmem_shared>>
        tpu.enqueue_dma source(%dma_start3A_333 : memref<624x128xf32, #tpu.memory_space<vmem_shared>>) target(%dma_start3A_331 : memref<624x128xf32, #tpu.memory_space<hbm>>) target_semaphore(%run_scoped3A : memref<!tpu.dma_semaphore, #tpu.memory_space<semaphore_mem>>)
        %dma_wait3A_334 = arith.constant 0 : i32
        %dma_wait3A_335 = tpu.memref_slice %arg4[%add3A_329, %dma_wait3A_334] : memref<20000x128xf32, #tpu.memory_space<hbm>> -> memref<624x128xf32, #tpu.memory_space<hbm>>
        %dma_wait3A_336 = arith.constant 0 : i32
        %dma_wait3A_337 = tpu.memref_slice %arg8[%mul3A_2, %dma_wait3A_336] : memref<10000x128xf32, #tpu.memory_space<vmem_shared>> -> memref<624x128xf32, #tpu.memory_space<vmem_shared>>
        tpu.wait_dma2 semaphore(%run_scoped3A : memref<!tpu.dma_semaphore, #tpu.memory_space<semaphore_mem>>) src(%dma_wait3A_337 : memref<624x128xf32, #tpu.memory_space<vmem_shared>>) dst(%dma_wait3A_335 : memref<624x128xf32, #tpu.memory_space<hbm>>)
        tpu.yield
      }) : () -> ()
    } else {
    }
    %eq3A_322 = arith.constant 15 : i32
    %eq3A_323 = arith.cmpi eq, %arg1, %eq3A_322 : i32
    %convert_element_type3A_324 = arith.extui %eq3A_323 : i1 to i32
    %cond3A_325 = arith.constant 0 : i32
    %cond3A_326 = arith.cmpi ne, %convert_element_type3A_324, %cond3A_325 : i32
    scf.if %cond3A_326 {
      %mul3A_327 = arith.constant 10000 : i32
      %mul3A_328 = arith.muli %arg0, %mul3A_327 : i32
      %add3A_329 = arith.addi %mul3A_328, %mul3A_2 : i32
      "tpu.region"() ({
        %run_scoped3A = tpu.sem_alloc : memref<!tpu.dma_semaphore, #tpu.memory_space<semaphore_mem>>
        %dma_start3A_330 = arith.constant 0 : i32
        %dma_start3A_331 = tpu.memref_slice %arg4[%add3A_329, %dma_start3A_330] : memref<20000x128xf32, #tpu.memory_space<hbm>> -> memref<640x128xf32, #tpu.memory_space<hbm>>
        %dma_start3A_332 = arith.constant 0 : i32
        %dma_start3A_333 = tpu.memref_slice %arg8[%mul3A_2, %dma_start3A_332] : memref<10000x128xf32, #tpu.memory_space<vmem_shared>> -> memref<640x128xf32, #tpu.memory_space<vmem_shared>>
        tpu.enqueue_dma source(%dma_start3A_333 : memref<640x128xf32, #tpu.memory_space<vmem_shared>>) target(%dma_start3A_331 : memref<640x128xf32, #tpu.memory_space<hbm>>) target_semaphore(%run_scoped3A : memref<!tpu.dma_semaphore, #tpu.memory_space<semaphore_mem>>)
        %dma_wait3A_334 = arith.constant 0 : i32
        %dma_wait3A_335 = tpu.memref_slice %arg4[%add3A_329, %dma_wait3A_334] : memref<20000x128xf32, #tpu.memory_space<hbm>> -> memref<640x128xf32, #tpu.memory_space<hbm>>
        %dma_wait3A_336 = arith.constant 0 : i32
        %dma_wait3A_337 = tpu.memref_slice %arg8[%mul3A_2, %dma_wait3A_336] : memref<10000x128xf32, #tpu.memory_space<vmem_shared>> -> memref<640x128xf32, #tpu.memory_space<vmem_shared>>
        tpu.wait_dma2 semaphore(%run_scoped3A : memref<!tpu.dma_semaphore, #tpu.memory_space<semaphore_mem>>) src(%dma_wait3A_337 : memref<640x128xf32, #tpu.memory_space<vmem_shared>>) dst(%dma_wait3A_335 : memref<640x128xf32, #tpu.memory_space<hbm>>)
        tpu.yield
      }) : () -> ()
    } else {
    }
    return
  }
}

module attributes {stable_mosaic.version = 14 : i64} {
  func.func @body(%arg0: memref<20000x128xf32, #tpu.memory_space<vmem>>, %arg1: memref<10000x128xf32, #tpu.memory_space<vmem>>, %arg2: memref<128x128xf32, #tpu.memory_space<vmem>>, %arg3: memref<1x128xf32, #tpu.memory_space<vmem>>, %arg4: memref<1x128xf32, #tpu.memory_space<vmem>>, %arg5: memref<1x128xf32, #tpu.memory_space<vmem>>, %arg6: memref<128x128xf32, #tpu.memory_space<vmem>>, %arg7: memref<1x128xf32, #tpu.memory_space<vmem>>, %arg8: memref<128x64xf32, #tpu.memory_space<vmem>>, %arg9: memref<1x64xf32, #tpu.memory_space<vmem>>, %arg10: memref<10000x64xf32, #tpu.memory_space<vmem>>) attributes {dimension_semantics = [], scalar_prefetch = 0 : i64, scratch_operands = 0 : i64, tpu.core_type = #tpu.core_type<tc>} {
    %get3A = arith.constant 0 : index
    %get3A_0 = arith.constant 0 : index
    %get3A_1 = vector.load %arg0[%get3A, %get3A_0] : memref<20000x128xf32, #tpu.memory_space<vmem>>, vector<10000x128xf32>
    %get3A_2 = arith.constant 10000 : index
    %get3A_3 = arith.constant 0 : index
    %get3A_4 = vector.load %arg0[%get3A_2, %get3A_3] : memref<20000x128xf32, #tpu.memory_space<vmem>>, vector<10000x128xf32>
    %add3A = arith.addf %get3A_1, %get3A_4 : vector<10000x128xf32>
    %get3A_5 = arith.constant 0 : index
    %get3A_6 = arith.constant 0 : index
    %get3A_7 = vector.load %arg1[%get3A_5, %get3A_6] : memref<10000x128xf32, #tpu.memory_space<vmem>>, vector<10000x128xf32>
    %sub3A = arith.subf %add3A, %get3A_7 : vector<10000x128xf32>
    %get3A_8 = arith.constant 0 : index
    %get3A_9 = arith.constant 0 : index
    %get3A_10 = vector.load %arg2[%get3A_8, %get3A_9] : memref<128x128xf32, #tpu.memory_space<vmem>>, vector<128x128xf32>
    %dot_general3A = arith.constant dense<0.000000e+00> : vector<10000x128xf32>
    %dot_general3A_11 = tpu.matmul %sub3A, %get3A_10, %dot_general3A {dimension_numbers = #tpu.dot_dimension_numbers<[1], [0], [0], [1], [0, 0, 1, 1], [], []>, transpose_lhs_hint = false} : vector<10000x128xf32>, vector<128x128xf32>, vector<10000x128xf32> -> vector<10000x128xf32>
    %get3A_12 = arith.constant 0 : index
    %get3A_13 = arith.constant 0 : index
    %get3A_14 = vector.load %arg3[%get3A_12, %get3A_13] : memref<1x128xf32, #tpu.memory_space<vmem>>, vector<1x128xf32>
    %add3A_15 = vector.broadcast %get3A_14 : vector<1x128xf32> to vector<10000x128xf32>
    %add3A_16 = arith.addf %dot_general3A_11, %add3A_15 : vector<10000x128xf32>
    %max3A = arith.constant 0.000000e+00 : f32
    %max3A_17 = vector.broadcast %max3A : f32 to vector<10000x128xf32>
    %max3A_18 = arith.maximumf %add3A_16, %max3A_17 : vector<10000x128xf32>
    %reduce_sum3A = arith.constant dense<0.000000e+00> : vector<128xf32>
    %reduce_sum3A_19 = vector.multi_reduction <add>, %max3A_18, %reduce_sum3A [0] : vector<10000x128xf32> to vector<128xf32>
    %broadcast_in_dim3A = vector.shape_cast %reduce_sum3A_19 : vector<128xf32> to vector<1x128xf32>
    %div3A = arith.constant 1.000000e+04 : f32
    %div3A_20 = vector.broadcast %div3A : f32 to vector<1x128xf32>
    %div3A_21 = arith.divf %broadcast_in_dim3A, %div3A_20 : vector<1x128xf32>
    %sub3A_22 = vector.broadcast %div3A_21 : vector<1x128xf32> to vector<10000x128xf32>
    %sub3A_23 = arith.subf %max3A_18, %sub3A_22 : vector<10000x128xf32>
    %mul3A = arith.mulf %sub3A_23, %sub3A_23 : vector<10000x128xf32>
    %reduce_sum3A_24 = arith.constant dense<0.000000e+00> : vector<128xf32>
    %reduce_sum3A_25 = vector.multi_reduction <add>, %mul3A, %reduce_sum3A_24 [0] : vector<10000x128xf32> to vector<128xf32>
    %broadcast_in_dim3A_26 = vector.shape_cast %reduce_sum3A_25 : vector<128xf32> to vector<1x128xf32>
    %div3A_27 = arith.constant 1.000000e+04 : f32
    %div3A_28 = vector.broadcast %div3A_27 : f32 to vector<1x128xf32>
    %div3A_29 = arith.divf %broadcast_in_dim3A_26, %div3A_28 : vector<1x128xf32>
    %get3A_30 = arith.constant 0 : index
    %get3A_31 = arith.constant 0 : index
    %get3A_32 = vector.load %arg4[%get3A_30, %get3A_31] : memref<1x128xf32, #tpu.memory_space<vmem>>, vector<1x128xf32>
    %add3A_33 = arith.constant 9.99999974E-6 : f32
    %add3A_34 = vector.broadcast %add3A_33 : f32 to vector<1x128xf32>
    %add3A_35 = arith.addf %div3A_29, %add3A_34 : vector<1x128xf32>
    %rsqrt3A = math.rsqrt %add3A_35 : vector<1x128xf32>
    %mul3A_36 = arith.mulf %get3A_32, %rsqrt3A : vector<1x128xf32>
    %mul3A_37 = vector.broadcast %mul3A_36 : vector<1x128xf32> to vector<10000x128xf32>
    %mul3A_38 = arith.mulf %sub3A_23, %mul3A_37 : vector<10000x128xf32>
    %get3A_39 = arith.constant 0 : index
    %get3A_40 = arith.constant 0 : index
    %get3A_41 = vector.load %arg5[%get3A_39, %get3A_40] : memref<1x128xf32, #tpu.memory_space<vmem>>, vector<1x128xf32>
    %add3A_42 = vector.broadcast %get3A_41 : vector<1x128xf32> to vector<10000x128xf32>
    %add3A_43 = arith.addf %mul3A_38, %add3A_42 : vector<10000x128xf32>
    %get3A_44 = arith.constant 0 : index
    %get3A_45 = arith.constant 0 : index
    %get3A_46 = vector.load %arg6[%get3A_44, %get3A_45] : memref<128x128xf32, #tpu.memory_space<vmem>>, vector<128x128xf32>
    %dot_general3A_47 = arith.constant dense<0.000000e+00> : vector<10000x128xf32>
    %dot_general3A_48 = tpu.matmul %add3A_43, %get3A_46, %dot_general3A_47 {dimension_numbers = #tpu.dot_dimension_numbers<[1], [0], [0], [1], [0, 0, 1, 1], [], []>, transpose_lhs_hint = false} : vector<10000x128xf32>, vector<128x128xf32>, vector<10000x128xf32> -> vector<10000x128xf32>
    %get3A_49 = arith.constant 0 : index
    %get3A_50 = arith.constant 0 : index
    %get3A_51 = vector.load %arg7[%get3A_49, %get3A_50] : memref<1x128xf32, #tpu.memory_space<vmem>>, vector<1x128xf32>
    %add3A_52 = vector.broadcast %get3A_51 : vector<1x128xf32> to vector<10000x128xf32>
    %add3A_53 = arith.addf %dot_general3A_48, %add3A_52 : vector<10000x128xf32>
    %get3A_54 = arith.constant 0 : index
    %get3A_55 = arith.constant 0 : index
    %get3A_56 = vector.load %arg8[%get3A_54, %get3A_55] : memref<128x64xf32, #tpu.memory_space<vmem>>, vector<128x64xf32>
    %dot_general3A_57 = arith.constant dense<0.000000e+00> : vector<10000x64xf32>
    %dot_general3A_58 = tpu.matmul %add3A_53, %get3A_56, %dot_general3A_57 {dimension_numbers = #tpu.dot_dimension_numbers<[1], [0], [0], [1], [0, 0, 1, 1], [], []>, transpose_lhs_hint = false} : vector<10000x128xf32>, vector<128x64xf32>, vector<10000x64xf32> -> vector<10000x64xf32>
    %get3A_59 = arith.constant 0 : index
    %get3A_60 = arith.constant 0 : index
    %get3A_61 = vector.load %arg9[%get3A_59, %get3A_60] : memref<1x64xf32, #tpu.memory_space<vmem>>, vector<1x64xf32>
    %add3A_62 = vector.broadcast %get3A_61 : vector<1x64xf32> to vector<10000x64xf32>
    %add3A_63 = arith.addf %dot_general3A_58, %add3A_62 : vector<10000x64xf32>
    %swap3A = arith.constant 0 : index
    %swap3A_64 = arith.constant 0 : index
    %swap3A_65 = vector.load %arg10[%swap3A, %swap3A_64] : memref<10000x64xf32, #tpu.memory_space<vmem>>, vector<10000x64xf32>
    tpu.vector_store %arg10[%swap3A, %swap3A_64], %add3A_63 {strides = array<i32>} : memref<10000x64xf32, #tpu.memory_space<vmem>>, vector<10000x64xf32>,
    return
  }
}

</mosaic_0001>

<sc_bundles>
// kernel: kernel.4.cloned.1.call-start
scs
__scs_entry_jumppad:
0x0: {  	(pc) =	sbr.rel $0x88, $3  }
0x1: {  	(tag) =	ssettag $0x0;
	lr =	simm.s32 $0x1  }
0x2: {  	[smem:$0x3F97] =	sst lr;
	_ =	strace $0xD0000000  }
0x3: {  	_ = 	snop  }
0x4: {  	_ = 	snop  }
0x5: {  	_ = 	snop  }
0x6: {  	_ = 	snop  }
0x7: {  	_ = 	snop  }
__scs_overlays_trampoline_lowered:
0x8: {  	[smem:$0x3FA6] =	sst s0  }
0x9: {  	[smem:$0x3FA7] =	sst s1  }
0xa: {  	[smem:$0x3FA8] =	sst s2  }
0xb: {  	[smem:$0x3FA9] =	sst s3  }
0xc: {  	[smem:$0x3FAA] =	sst s4  }
0xd: {  	[smem:$0x3FAB] =	sst s5  }
0xe: {  	[smem:$0x3FAC] =	sst s6  }
0xf: {  	[smem:$0x3FAD] =	sst s7  }
0x10: {  	[smem:$0x3FAE] =	sst s8  }
0x11: {  	[smem:$0x3FAF] =	sst s9;
	s0 =	simm.s32 @!p0 $0x0  }
0x12: {  	s1 =	sld [smem:$0x3F95];
	s0 =	simm.s32 @p0 $0x1  }
0x13: {  	[smem:$0x3FB0] =	sst s0;
	s0 =	simm.s32 @!p1 $0x0  }
0x14: {  	s2 =	sld [smem:$0x3F94];
	s0 =	simm.s32 @p1 $0x1  }
0x15: {  	[smem:$0x3FB1] =	sst s0;
	s0 =	simm.s32 @!p2 $0x0  }
0x16: {  	s3 =	sld [smem:$0x3FDB];
	s0 =	simm.s32 @p2 $0x1  }
0x17: {  	s4 =	simm.s32 $0x1BF5;
	[smem:$0x3FB3] =	sst s0  }
0x18: {  	s0 =	sld [smem:$0x3F96];
	_ =	swait.ge [sflag:s4], $0x0  }
0x19: {  	s7 =	sld [smem:$0x3F97]  }
0x1a: {  	s8 =	sadd.s32 $0xFFFFE003, lr  }
0x1b: {  	s9 =	sadd.s32 $0xFFFFFEF7, lr;
	s5 =	simm.s32 $0xFFFFFFFF;
	p2 =	slt.u32 s8, $0xFFFFF086  }
0x1c: {  	p1 =	slt.u32 s9, $0xF7A;
	s5 =	simm.s32 @!p2 $0x0  }
0x1d: {  	s5 =	simm.s32 @p1 $0x1;
	p0 =	seq.s32 s7, s2  }
0x1e: {  	s7 =	smul.u32 @!p0 $0xF7A, s2;
	p2 =	seq.s32 @!p0 s5, $0x0  }
0x1f: {  	s9 =	smul.u32 $0xF7A, s1;
	s8 =	simm.s32 @!p0 $0x1BF5;
	p2 =	por !p2, p0  }
0x20: {  	[sflag:s8] =	ssyncset.s32 @!p0 $0xFFFFF086;
	s6 =	sadd.s32 @!p0 s3, s7;
	s7 =	simm.s32 @!p0 $0x108  }
0x21: {  	s3 =	sadd.s32 s3, s9;
	s6 =	sadd.s32 @!p0 $0x88, s6;
	s7 =	simm.s32 @p2 $0x1082  }
0x22: {  	[simem:s7], [sflag:s8] =	dma.local @!p0 [hbm:s6], $0xF7A  }
0x23: {  	s9 =	sor.u32 $0xD0000000, s2;
	s6 =	simm.s32 $0x108;
	_ =	swait.ge @!p0 [sflag:s8], $0x0  }
0x24: {  	s3 =	sadd.s32 $0x88, s3;
	s6 =	simm.s32 @!p1 $0x1082;
	[sflag:s4] =	ssyncset.s32 $0xFFFFF086  }
0x25: {  	[simem:s6], [sflag:s4] =	dma.local [hbm:s3], $0xF7A  }
0x26: {  	[smem:$0x3F97] =	sst s1;
	(tag) =	ssettag s2;
	_ =	strace s9  }
0x27: {  	s1 =	sld [smem:$0x3FA7]  }
0x28: {  	s2 =	sld [smem:$0x3FA8]  }
0x29: {  	s4 =	sld [smem:$0x3FAA]  }
0x2a: {  	p0 =	seq.s32 s5, $0x0;
	s5 =	sld [smem:$0x3FAB]  }
0x2b: {  	s6 =	sld [smem:$0x3FAC]  }
0x2c: {  	s7 =	sld [smem:$0x3FAD]  }
0x2d: {  	s3 =	simm.s32 $0x108;
	s8 =	sld [smem:$0x3FAE]  }
0x2e: {  	s3 =	simm.s32 @!p0 $0x1082;
	s9 =	sld [smem:$0x3FAF]  }
0x2f: {  	lr =	sadd.s32 s0, s3;
	s0 =	sld [smem:$0x3FA6]  }
0x30: {  	s3 =	sld [smem:$0x3FA9]  }
0x31: {  	[smem:$0x3FB2] =	sst s10  }
0x32: {  	s10 =	sld [smem:$0x3FB0];
	_ =	sdelay $0x3  }
0x33: {  	p0 =	seq.s32 s10, $0x1;
	s10 =	sld [smem:$0x3FB2];
	_ =	sdelay $0x3  }
0x34: {  	[smem:$0x3FB2] =	sst s10  }
0x35: {  	s10 =	sld [smem:$0x3FB1];
	_ =	sdelay $0x3  }
0x36: {  	p1 =	seq.s32 s10, $0x1;
	s10 =	sld [smem:$0x3FB2];
	_ =	sdelay $0x3  }
0x37: {  	[smem:$0x3FB2] =	sst s10  }
0x38: {  	s10 =	sld [smem:$0x3FB3]  }
0x39: {  	_ = 	snop;
	(pc) =	sbr.ind lr, $3  }
0x3a: {  	_ = 	snop  }
0x3b: {  	_ = 	snop  }
0x3c: {  	p2 =	seq.s32 s10, $0x1;
	s10 =	sld [smem:$0x3FB2]  }
0x3d: {  	_ =	shalt  }
0x3e: {  	_ =	shalt  }
0x3f: {  	_ =	shalt  }
0x40: {  	_ =	shalt  }
0x41: {  	_ =	shalt  }
0x42: {  	_ =	shalt  }
0x43: {  	_ =	shalt  }
0x44: {  	_ =	shalt  }
0x45: {  	_ =	shalt  }
0x46: {  	_ =	shalt  }
0x47: {  	_ =	shalt  }
0x48: {  	_ =	shalt  }
0x49: {  	_ =	shalt  }
0x4a: {  	_ =	shalt  }
0x4b: {  	_ =	shalt  }
0x4c: {  	_ =	shalt  }
0x4d: {  	_ =	shalt  }
0x4e: {  	_ =	shalt  }
0x4f: {  	_ =	shalt  }
0x50: {  	_ =	shalt  }
0x51: {  	_ =	shalt  }
0x52: {  	_ =	shalt  }
0x53: {  	_ =	shalt  }
0x54: {  	_ =	shalt  }
0x55: {  	_ =	shalt  }
0x56: {  	_ =	shalt  }
0x57: {  	_ =	shalt  }
0x58: {  	_ =	shalt  }
0x59: {  	_ =	shalt  }
0x5a: {  	_ =	shalt  }
0x5b: {  	_ =	shalt  }
0x5c: {  	_ =	shalt  }
0x5d: {  	_ =	shalt  }
0x5e: {  	_ =	shalt  }
0x5f: {  	_ =	shalt  }
0x60: {  	_ =	shalt  }
0x61: {  	_ =	shalt  }
0x62: {  	_ =	shalt  }
0x63: {  	_ =	shalt  }
0x64: {  	_ =	shalt  }
0x65: {  	_ =	shalt  }
0x66: {  	_ =	shalt  }
0x67: {  	_ =	shalt  }
0x68: {  	_ =	shalt  }
0x69: {  	_ =	shalt  }
0x6a: {  	_ =	shalt  }
0x6b: {  	_ =	shalt  }
0x6c: {  	_ =	shalt  }
0x6d: {  	_ =	shalt  }
0x6e: {  	_ =	shalt  }
0x6f: {  	_ =	shalt  }
0x70: {  	_ =	shalt  }
0x71: {  	_ =	shalt  }
0x72: {  	_ =	shalt  }
0x73: {  	_ =	shalt  }
0x74: {  	_ =	shalt  }
0x75: {  	_ =	shalt  }
0x76: {  	_ =	shalt  }
0x77: {  	_ =	shalt  }
0x78: {  	_ =	shalt  }
0x79: {  	_ =	shalt  }
0x7a: {  	_ =	shalt  }
0x7b: {  	_ =	shalt  }
0x7c: {  	_ =	shalt  }
0x7d: {  	_ =	shalt  }
0x7e: {  	_ =	shalt  }
0x7f: {  	_ =	shalt  }
0x80: {  	_ =	shalt  }
0x81: {  	_ =	shalt  }
0x82: {  	_ =	shalt  }
0x83: {  	_ =	shalt  }
0x84: {  	_ =	shalt  }
0x85: {  	_ =	shalt  }
0x86: {  	_ =	shalt  }
0x87: {  	_ =	shalt  }
.Lfunc_end0:
.L_simem_size_0:
called_computation_lowered:
.L_overlay_start_0:
0x88: {  	s2 =	sld [smem:$0x3FD9]  }
0x89: {  	s3 =	sld [smem:$0x3FFE];
	_ =	sdelay $0x1  }
0x8a: {  	s1 =	srdreg.scid  }
0x8b: {  	s0 =	sand.u32 $0x1, s1  }
0x8c: {  	s17 =	sshll.u32 s0, $0xA;
	s2 =	sadd.s32 s3, s2  }
0x8d: {  	s2 =	sadd.s32 s2, s17  }
0x8e: {  	[smem:$0x3FBE] =	sst s2  }
0x8f: {  	_ = 	snop  }
0x90: {  	s2 =	sld [smem:$0x3FC9]  }
0x91: {  	s18 =	sld [smem:$0x3FC8];
	(tm) =	ssettm $0x1  }
0x92: {  	s4 =	sld [smem:$0x3FFB];
	_ =	sdelay $0x3  }
0x93: {  	_ =	strace s4  }
0x94: {  	s4 =	sld [smem:$0x3FFC];
	_ =	sdelay $0x3  }
0x95: {  	_ =	strace s4  }
0x96: {  	s4 =	sld [smem:$0x3FFD];
	_ =	sdelay $0x3  }
0x97: {  	_ =	strace s4  }
0x98: {  	_ =	strace $0x8FFFFFFF  }
0x99: {  	s19 =	sld [smem:$0x3FDB];
	_ =	sdelay $0x1  }
0x9a: {  	s5 =	simm.s32 $_scs_section_size  }
0x9b: {  	s6 =	simm.s32 $_size__tile_overlayer_lowered;
	s7 =	simm.s32 $_tile_overlayer_lowered  }
0x9c: {  	s22 =	simm.s32 $0x1BFF;
	s21 =	sshll.u32 s7, $0x1;
	s4 =	sadd.s32 s5, s19  }
0x9d: {  	s8 =	simm.s32 $0x0;
	s20 =	sshll.u32 s6, $0x1;
	s6 =	sadd.s32 s21, s4  }
0x9e: {  	[timem:s8], [sflag:s22] =	dma.local [hbm:s6], s20  }
0x9f: {  	_ =	swait.ge [sflag:s22], s20  }
0xa0: {  	s5 =	ssub.s32 $0x0, s20;
	[sflag:s22] =	ssyncset.done $0x0  }
0xa1: {  	[sflag:s22] =	ssyncadd.s32 s5;
	_ =	sdelay $0x1  }
0xa2: {  	s23 =	simm.s32 $0x1B8B  }
0xa3: {  	_ =	swait.ge [sflag:s23], $0x1  }
0xa4: {  	[sflag:s23] =	ssyncset.done $0x0  }
0xa5: {  	s25 =	simm.s32 $0x1B8E;
	s24 =	sld [smem:$0x3FFE];
	[sflag:s23] =	ssyncadd.s32 $0xFFFFFFFF  }
0xa6: {  	s26 =	simm.s32 $execute0_lowered;
	[smem:$0x3FD2] =	sst s25  }
0xa7: {  	s6 =	sshll.u32 s26, $0x1;
	_ =	strace $0x80000046;
	[dreg:$0x1] =	wrdreg $0xFFFFFFFF  }
0xa8: {  	s28 =	simm.s32 $_size_execute0_lowered;
	s4 =	sadd.s32 s4, s6;
	[dreg:$0x0] =	wrdreg $0x0  }
0xa9: {  	s6 =	sshll.u32 s28, $0x1;
	[dreg:$0x2] =	wrdreg s4  }
0xaa: {  	[dreg:$0x3] =	wrdreg s6  }
0xab: {  	[dreg:$0x4] =	wrdreg $0xC0  }
0xac: {  	_ =	task [dreg:s8], $0x5FFFF  }
0xad: {  	[dreg:$0x1] =	wrdreg $0xFFFFFFFF  }
0xae: {  	[dreg:$0x0] =	wrdreg $0x60  }
0xaf: {  	[dreg:$0x2] =	wrdreg s2  }
0xb0: {  	[dreg:$0x3] =	wrdreg s18  }
0xb1: {  	[dreg:$0x4] =	wrdreg s24  }
0xb2: {  	[dreg:$0x5] =	wrdreg $0xBF000  }
0xb3: {  	[dreg:$0x6] =	wrdreg $0x9  }
0xb4: {  	_ =	task.clear_ibuf [dreg:s8], $0x7FFFF;
	_ =	strace $0x90000046  }
0xb5: {  	s29 =	simm.s32 $0x9;
	_ =	strace $0x80000048  }
0xb6: {  	_ =	swait.ge [sflag:s29], $0x1  }
0xb7: {  	[sflag:s29] =	ssyncadd.s32 $0xFFFFFFFF  }
0xb8: {  	_ =	strace $0x90000048  }
0xb9: {  	_ =	sfence  }
0xba: {  	s30 =	sld [smem:$0x0];
	_ =	sdelay $0x2  }
0xbb: {  	s31 =	sshll.u32 s1, $0xD;
	s1 =	sshrl.u32 s1, $0x2  }
0xbc: {  	s3 =	sand.u32 $0x4000, s31;
	s1 =	sadd.s32 s1, s30  }
0xbd: {  	s0 =	sor.u32 s3, s0;
	s1 =	sshll.u32 s1, $0x11  }
0xbe: {  	s0 =	sor.u32 s1, s0  }
0xbf: {  	s0 =	sadd.s32 $0x8F2B, s0  }
0xc0: {  	[sflag:s0] =	ssyncadd.remote.s32 $0x1  }
0xc1: {  	_ =	sfence.sel $0xFFFF  }
0xc2: {  	[dreg:$0x0] =	wrdreg $0xFFFFFFFF;
	(pc) =	sbr.abs _section_cstart, $3  }
0xc3: {  	[dreg:$0x1] =	wrdreg $0xFFFFFFFF  }
0xc4: {  	_ =	task.clear_ibuf [dreg:s8], $0x2FFFF;
	_ =	strace $0x9FFFFFFF  }
0xc5: {  	(tm) =	ssettm $0x7FFFFFFF  }
tec
execute0_lowered:
.L_overlay_start_1:
0x0: {  	(tag) =	ssettag $0x1  }
0x1: {  	s0 =	rddreg [dreg:$0x0]  }
0x2: {  	s1 =	rddreg [dreg:$0x1]  }
0x3: {  	s4 =	rddreg [dreg:$0x2]  }
0x4: {  	s2 =	srdreg.scid;
	s3 =	rddreg [dreg:$0x3]  }
0x5: {  	s12 =	stileid.u32;
	s8 =	simm.s32 $0x0;
	s28 =	simm.s32 $0x80  }
0x6: {  	s29 =	simm.s32 $0x100;
	s31 =	simm.s32 $0x1;
	s30 =	simm.s32 $0x8700  }
0x7: {  	s2 =	sand.u32 $0x1, s2;
	s6 =	sshll.u32 s12, $0x4;
	s9 =	smul.u32 $0x4E000, s12  }
0x8: {  	[smem:$0x7FF] =	sst s8;
	s4 =	sadd.s32 $0x1800, s4;
	s11 =	smul.u32 $0x2700, s12  }
0x9: {  	s19 =	sadd.s32 $0x124800, s3;
	s20 =	sadd.s32 $0x24900, s0;
	p0 =	seq.s32 s12, $0xF  }
0xa: {  	s8 =	simm.s32 $0x4;
	s5 =	sshll.u32 s2, $0x4;
	_ =	strace $0x80000047  }
0xb: {  	s14 =	ssub.s32 $0x2, s2;
	[dreg:$0x9] =	wrdreg s19;
	s25 =	smul.u32 $0x138800, s2  }
0xc: {  	[dreg:$0xa] =	wrdreg s20;
	s2 =	smul.u32 $0x27100, s2;
	s20 =	sor.u32 $0x2680, s6  }
0xd: {  	s5 =	sor.u32 s12, s5;
	s10 =	sshrl.u32 s14, $0x1;
	s15 =	sshrl.u32 s9, $0x2  }
0xe: {  	s18 =	sadd.s32 s0, s11;
	s9 =	simm.s32 $0x20;
	s7 =	smul.u32 $0x2710, s5  }
0xf: {  	s5 =	sand.u32 $0x70, s6;
	s16 =	ssub.s32 s14, s10;
	[dreg:$0x8] =	wrdreg s18  }
0x10: {  	s2 =	sadd.s32 s11, s2;
	s10 =	simm.s32 $0x0;
	s21 =	sadd.s32 $0x26F0, s5  }
0x11: {  	s22 =	sadd.s32 $0x70, s5;
	s14 =	sor.u32 $0x2780, s5;
	[dreg:$0xb] =	wrdreg s21  }
0x12: {  	s23 =	sadd.s32 $0x4C40, s5;
	s24 =	sadd.s32 $0x25A0, s5;
	[dreg:$0xc] =	wrdreg s22  }
0x13: {  	s26 =	sadd.s32 $0x4CB0, s5;
	s18 =	sadd.s32 $0x2610, s5;
	[dreg:$0xd] =	wrdreg s23  }
0x14: {  	s19 =	sadd.s32 $0x4D20, s5;
	s7 =	ssub.s32 s7, s5;
	[dreg:$0xe] =	wrdreg s24  }
0x15: {  	[dreg:$0xf] =	wrdreg s26;
	s21 =	sadd.s32 $0x4D90, s5;
	s7 =	sshrl.u32 s7, $0x2  }
0x16: {  	s22 =	sadd.s32 s4, s2;
	s23 =	sadd.s32 $0x2780, s20;
	s7 =	sand.u32 $0x1FFFFFE0, s7  }
0x17: {  	s26 =	sadd.s32 $0x4E70, s5;
	s2 =	simm.s32 $0x4F00;
	s13 =	sadd.s32 s1, s7  }
0x18: {  	s1 =	sadd.s32 s15, s3;
	s7 =	simm.s32 $0x3;
	[dreg:$0x5] =	wrdreg s13  }
0x19: {  	s17 =	sadd.s32 $0x10, s13;
	[dreg:$0x7] =	wrdreg s1;
	s1 =	sshrl.u32 s25, $0x3  }
0x1a: {  	s25 =	smax.u32 s16, $0x1;
	[dreg:$0x6] =	wrdreg s17;
	s1 =	sadd.s32 s4, s1  }
0x1b: {  	s4 =	simm.s32 $0x70;
	s24 =	sadd.s32 $0x24900, s1;
	s1 =	simm.s32 $0x2  }
.LBB2_1:
0x1c: {  	s11 =	rddreg [dreg:$0x5]  }
0x1d: {  	s6 =	simm.s32 $0x0;
	s13 =	rddreg [dreg:$0x6]  }
0x1e: {  	[tilespmem:s6], [sflag:$0x1] =	stream.strided.gather [hbm4b:s11+s28], $0x2780, s29, s28, $0x38;
	[tilespmem:$0x1F780] =	vst v63  }
0x1f: {  	s15 =	simm.s32 $0x2780;
	s6 =	rddreg [dreg:$0x9]  }
0x20: {  	s12 =	rddreg [dreg:$0xa];
	s11 =	sshrl.u32 @p0 s6, $0x3;
	s6 =	simm.s32 @p0 $0x1FC5  }
0x21: {  	[tilespmem:s15], [sflag:$0x2] =	stream.strided.gather [hbm4b:s13+s28], $0x2780, s29, s28, $0x38;
	[tilespmem:$0x1F780] =	vst v63  }
0x22: {  	[spmem:s11], [sflag:s6] =	dma.local @p0 [hbm:s12], $0x2800  }
0x23: {  	s6 =	simm.s32 @p0 $0x5  }
0x24: {  	_ =	swait.ge @p0 [sflag:s6], $0x2800  }
0x25: {  	s12 =	stileid.u32;
	[sflag:s6] =	ssyncset.done @p0 $0x0  }
0x26: {  	s12 =	sshll.u32 @!p0 s12, $0x6;
	[sflag:s6] =	ssyncadd.s32 @p0 $0xFFFFD800;
	s6 =	rddreg [dreg:$0x7]  }
0x27: {  	s12 =	sor.u32 @!p0 $0x1C05, s12;
	s13 =	rddreg [dreg:$0x8];
	s6 =	sshrl.u32 @!p0 s6, $0x3  }
0x28: {  	[spmem:s6], [sflag:s12] =	dma.local @!p0 [hbm:s13], $0x2700  }
0x29: {  	s13 =	simm.s32 @!p0 $0x5  }
0x2a: {  	_ =	swait.ge @!p0 [sflag:s13], $0x2700  }
0x2b: {  	[sflag:s13] =	ssyncset.done @!p0 $0x0  }
0x2c: {  	[sflag:s13] =	ssyncadd.s32 @!p0 $0xFFFFD900  }
0x2d: {  	_ =	swait.ge [sflag:s31], $0x2780  }
0x2e: {  	[sflag:s31] =	ssyncset.done $0x0  }
0x2f: {  	[sflag:s31] =	ssyncadd.s32 $0xFFFFD880  }
0x30: {  	_ =	swait.ge [sflag:s1], $0x2780  }
0x31: {  	[sflag:s1] =	ssyncset.done $0x0  }
0x32: {  	[sflag:s1] =	ssyncadd.s32 $0xFFFFD880  }
0x33: {  	[bflag:$0x0] =	sbarrier.arrive $0xFFFF  }
0x34: {  	[tilespmem:s2], [sflag:$0x1] =	stream.indirect.gather [hbm4b:s0+s4], $0x80, s5, s4, $0xb8;
	[tilespmem:$0x1F780] =	vst v63  }
0x35: {  	s16 =	rddreg [dreg:$0xc]  }
0x36: {  	[tilespmem:s30], [sflag:$0x2] =	stream.indirect.gather [hbm4b:s0+s4], $0x80, s16, s4, $0xb8;
	[tilespmem:$0x1F780] =	vst v63  }
0x37: {  	_ =	swait.ge [sflag:s31], $0x3800  }
0x38: {  	[sflag:s31] =	ssyncset.done $0x0  }
0x39: {  	s13 =	sadd.s32 $0x0, s14;
	[sflag:s31] =	ssyncadd.s32 $0xFFFFC800  }
0x3a: {  	[spmem:s3] =	stream.indirect.scatter.add.f32 [tilespmem:s2], [sflag:$0x3], $0x80, s13, s4, $0xb8;
	[tilespmem:$0x1F780] =	vst v63  }
0x3b: {  	_ =	swait.ge [sflag:s7], $0x3800  }
0x3c: {  	s15 =	sadd.s32 $0x0, s5;
	[sflag:s7] =	ssyncset.done $0x0  }
0x3d: {  	s16 =	sadd.s32 $0xE0, s15;
	[sflag:s7] =	ssyncadd.s32 $0xFFFFC800  }
0x3e: {  	[tilespmem:s2], [sflag:$0x1] =	stream.indirect.gather [hbm4b:s0+s4], $0x80, s16, s4, $0xb8;
	[tilespmem:$0x1F780] =	vst v63  }
0x3f: {  	_ =	swait.ge [sflag:s1], $0x3800  }
0x40: {  	[sflag:s1] =	ssyncset.done $0x0  }
0x41: {  	s17 =	sadd.s32 $0x70, s13;
	[sflag:s1] =	ssyncadd.s32 $0xFFFFC800  }
0x42: {  	[spmem:s3] =	stream.indirect.scatter.add.f32 [tilespmem:s30], [sflag:$0x4], $0x80, s17, s4, $0xb8;
	[tilespmem:$0x1F780] =	vst v63  }
0x43: {  	_ =	swait.ge [sflag:s8], $0x3800  }
0x44: {  	[sflag:s8] =	ssyncset.done $0x0  }
0x45: {  	s17 =	sadd.s32 $0x150, s15;
	[sflag:s8] =	ssyncadd.s32 $0xFFFFC800  }
0x46: {  	[tilespmem:s30], [sflag:$0x2] =	stream.indirect.gather [hbm4b:s0+s4], $0x80, s17, s4, $0xb8;
	[tilespmem:$0x1F780] =	vst v63  }
0x47: {  	_ =	swait.ge [sflag:s31], $0x3800  }
0x48: {  	[sflag:s31] =	ssyncset.done $0x0  }
0x49: {  	s17 =	sadd.s32 $0xE0, s13;
	[sflag:s31] =	ssyncadd.s32 $0xFFFFC800  }
0x4a: {  	[spmem:s3] =	stream.indirect.scatter.add.f32 [tilespmem:s2], [sflag:$0x3], $0x80, s17, s4, $0xb8;
	[tilespmem:$0x1F780] =	vst v63  }
0x4b: {  	_ =	swait.ge [sflag:s7], $0x3800  }
0x4c: {  	[sflag:s7] =	ssyncset.done $0x0  }
0x4d: {  	s17 =	sadd.s32 $0x1C0, s15;
	[sflag:s7] =	ssyncadd.s32 $0xFFFFC800  }
0x4e: {  	[tilespmem:s2], [sflag:$0x1] =	stream.indirect.gather [hbm4b:s0+s4], $0x80, s17, s4, $0xb8;
	[tilespmem:$0x1F780] =	vst v63  }
0x4f: {  	_ =	swait.ge [sflag:s1], $0x3800  }
0x50: {  	[sflag:s1] =	ssyncset.done $0x0  }
0x51: {  	s13 =	sadd.s32 $0x150, s13;
	[sflag:s1] =	ssyncadd.s32 $0xFFFFC800  }
0x52: {  	[spmem:s3] =	stream.indirect.scatter.add.f32 [tilespmem:s30], [sflag:$0x4], $0x80, s13, s4, $0xb8;
	[tilespmem:$0x1F780] =	vst v63  }
0x53: {  	_ =	swait.ge [sflag:s8], $0x3800  }
0x54: {  	[sflag:s8] =	ssyncset.done $0x0  }
0x55: {  	s15 =	sadd.s32 $0x230, s15;
	s13 =	simm.s32 $0x700;
	[sflag:s8] =	ssyncadd.s32 $0xFFFFC800  }
.LBB2_2:
0x56: {  	[tilespmem:s30], [sflag:$0x2] =	stream.indirect.gather [hbm4b:s0+s4], $0x80, s15, s4, $0xb8;
	[tilespmem:$0x1F780] =	vst v63  }
0x57: {  	s15 =	smov.u32 s13  }
0x58: {  	p1 =	sne.s32 s13, $0x8C00;
	s13 =	sadd.s32 $0x700, s13;
	_ =	swait.ge [sflag:s31], $0x3800  }
0x59: {  	s15 =	sshra.s32 s15, $0x2;
	[sflag:s31] =	ssyncset.done $0x0  }
0x5a: {  	s16 =	sadd.s32 s15, s14;
	s15 =	sadd.s32 s15, s5;
	[sflag:s31] =	ssyncadd.s32 $0xFFFFC800  }
0x5b: {  	[spmem:s3] =	stream.indirect.scatter.add.f32 [tilespmem:s2], [sflag:$0x3], $0x80, s16, s4, $0xb8;
	[tilespmem:$0x1F780] =	vst v63  }
0x5c: {  	_ =	swait.ge [sflag:s7], $0x3800  }
0x5d: {  	[sflag:s7] =	ssyncset.done $0x0  }
0x5e: {  	s17 =	sadd.s32 $0xE0, s15;
	[sflag:s7] =	ssyncadd.s32 $0xFFFFC800  }
0x5f: {  	[tilespmem:s2], [sflag:$0x1] =	stream.indirect.gather [hbm4b:s0+s4], $0x80, s17, s4, $0xb8;
	[tilespmem:$0x1F780] =	vst v63  }
0x60: {  	_ =	swait.ge [sflag:s1], $0x3800  }
0x61: {  	[sflag:s1] =	ssyncset.done $0x0  }
0x62: {  	s17 =	sadd.s32 $0x70, s16;
	[sflag:s1] =	ssyncadd.s32 $0xFFFFC800  }
0x63: {  	[spmem:s3] =	stream.indirect.scatter.add.f32 [tilespmem:s30], [sflag:$0x4], $0x80, s17, s4, $0xb8;
	[tilespmem:$0x1F780] =	vst v63  }
0x64: {  	_ =	swait.ge [sflag:s8], $0x3800  }
0x65: {  	[sflag:s8] =	ssyncset.done $0x0  }
0x66: {  	s17 =	sadd.s32 $0x150, s15;
	[sflag:s8] =	ssyncadd.s32 $0xFFFFC800  }
0x67: {  	[tilespmem:s30], [sflag:$0x2] =	stream.indirect.gather [hbm4b:s0+s4], $0x80, s17, s4, $0xb8;
	[tilespmem:$0x1F780] =	vst v63  }
0x68: {  	_ =	swait.ge [sflag:s31], $0x3800  }
0x69: {  	[sflag:s31] =	ssyncset.done $0x0  }
0x6a: {  	s17 =	sadd.s32 $0xE0, s16;
	[sflag:s31] =	ssyncadd.s32 $0xFFFFC800  }
0x6b: {  	[spmem:s3] =	stream.indirect.scatter.add.f32 [tilespmem:s2], [sflag:$0x3], $0x80, s17, s4, $0xb8;
	[tilespmem:$0x1F780] =	vst v63  }
0x6c: {  	_ =	swait.ge [sflag:s7], $0x3800  }
0x6d: {  	[sflag:s7] =	ssyncset.done $0x0  }
0x6e: {  	s17 =	sadd.s32 $0x1C0, s15;
	[sflag:s7] =	ssyncadd.s32 $0xFFFFC800  }
0x6f: {  	[tilespmem:s2], [sflag:$0x1] =	stream.indirect.gather [hbm4b:s0+s4], $0x80, s17, s4, $0xb8;
	[tilespmem:$0x1F780] =	vst v63  }
0x70: {  	_ =	swait.ge [sflag:s1], $0x3800  }
0x71: {  	[sflag:s1] =	ssyncset.done $0x0  }
.Ltmp0:
0x72: {  	s16 =	sadd.s32 $0x150, s16;
	[sflag:s1] =	ssyncadd.s32 $0xFFFFC800;
	(pc) =	sbr.rel @p1 .LBB2_2-.Ltmp0, $4  }
0x73: {  	[spmem:s3] =	stream.indirect.scatter.add.f32 [tilespmem:s30], [sflag:$0x4], $0x80, s16, s4, $0xb8;
	[tilespmem:$0x1F780] =	vst v63  }
0x74: {  	_ =	swait.ge [sflag:s8], $0x3800  }
0x75: {  	[sflag:s8] =	ssyncset.done $0x0  }
0x76: {  	s15 =	sadd.s32 $0x230, s15;
	[sflag:s8] =	ssyncadd.s32 $0xFFFFC800  }
0x77: {  	[tilespmem:s30], [sflag:$0x2] =	stream.indirect.gather [hbm4b:s0+s4], $0x80, s15, s4, $0xb8;
	[tilespmem:$0x1F780] =	vst v63  }
0x78: {  	_ =	swait.ge [sflag:s31], $0x3800  }
0x79: {  	[sflag:s31] =	ssyncset.done $0x0  }
0x7a: {  	s13 =	rddreg [dreg:$0xd];
	[sflag:s31] =	ssyncadd.s32 $0xFFFFC800  }
0x7b: {  	[spmem:s3] =	stream.indirect.scatter.add.f32 [tilespmem:s2], [sflag:$0x3], $0x80, s13, s4, $0xb8;
	[tilespmem:$0x1F780] =	vst v63  }
0x7c: {  	_ =	swait.ge [sflag:s7], $0x3800  }
0x7d: {  	[sflag:s7] =	ssyncset.done $0x0  }
0x7e: {  	s15 =	rddreg [dreg:$0xe];
	[sflag:s7] =	ssyncadd.s32 $0xFFFFC800  }
0x7f: {  	[tilespmem:s2], [sflag:$0x1] =	stream.indirect.gather [hbm4b:s0+s4], $0x80, s15, s4, $0xb8;
	[tilespmem:$0x1F780] =	vst v63  }
0x80: {  	_ =	swait.ge [sflag:s1], $0x3800  }
0x81: {  	[sflag:s1] =	ssyncset.done $0x0  }
0x82: {  	s16 =	rddreg [dreg:$0xf];
	[sflag:s1] =	ssyncadd.s32 $0xFFFFC800  }
0x83: {  	[spmem:s3] =	stream.indirect.scatter.add.f32 [tilespmem:s30], [sflag:$0x4], $0x80, s16, s4, $0xb8;
	[tilespmem:$0x1F780] =	vst v63  }
0x84: {  	_ =	swait.ge [sflag:s8], $0x3800  }
0x85: {  	[sflag:s8] =	ssyncset.done $0x0  }
0x86: {  	[sflag:s8] =	ssyncadd.s32 $0xFFFFC800  }
0x87: {  	[tilespmem:s30], [sflag:$0x2] =	stream.indirect.gather [hbm4b:s0+s4], $0x80, s18, s4, $0xb8;
	[tilespmem:$0x1F780] =	vst v63  }
0x88: {  	_ =	swait.ge [sflag:s31], $0x3800  }
0x89: {  	[sflag:s31] =	ssyncset.done $0x0  }
0x8a: {  	[sflag:s31] =	ssyncadd.s32 $0xFFFFC800  }
0x8b: {  	[spmem:s3] =	stream.indirect.scatter.add.f32 [tilespmem:s2], [sflag:$0x3], $0x80, s19, s4, $0xb8;
	[tilespmem:$0x1F780] =	vst v63  }
0x8c: {  	_ =	swait.ge [sflag:s7], $0x3800  }
0x8d: {  	[sflag:s7] =	ssyncset.done $0x0  }
0x8e: {  	[sflag:s7] =	ssyncadd.s32 $0xFFFFC800  }
0x8f: {  	[tilespmem:s2], [sflag:$0x1] =	stream.indirect.gather [hbm4b:s0+s4], $0x80, s20, s4, $0xb8;
	[tilespmem:$0x1F780] =	vst v63  }
0x90: {  	_ =	swait.ge [sflag:s1], $0x3800  }
0x91: {  	[sflag:s1] =	ssyncset.done $0x0  }
0x92: {  	[sflag:s1] =	ssyncadd.s32 $0xFFFFC800  }
0x93: {  	[spmem:s3] =	stream.indirect.scatter.add.f32 [tilespmem:s30], [sflag:$0x4], $0x80, s21, s4, $0xb8;
	[tilespmem:$0x1F780] =	vst v63  }
0x94: {  	_ =	swait.ge [sflag:s8], $0x3800  }
0x95: {  	[sflag:s8] =	ssyncset.done $0x0  }
0x96: {  	s17 =	rddreg [dreg:$0xb];
	[sflag:s8] =	ssyncadd.s32 $0xFFFFC800  }
0x97: {  	[tilespmem:s30], [sflag:$0x2] =	stream.indirect.gather [hbm4b:s0+s9], $0x80, s17, s9, $0xb8;
	[tilespmem:$0x1F780] =	vst v63  }
0x98: {  	_ =	swait.ge [sflag:s31], $0x3800  }
0x99: {  	[sflag:s31] =	ssyncset.done $0x0  }
0x9a: {  	[sflag:s31] =	ssyncadd.s32 $0xFFFFC800  }
0x9b: {  	[spmem:s3] =	stream.indirect.scatter.add.f32 [tilespmem:s2], [sflag:$0x3], $0x80, s23, s4, $0xb8;
	[tilespmem:$0x1F780] =	vst v63  }
0x9c: {  	_ =	swait.ge [sflag:s1], $0x1000  }
0x9d: {  	[sflag:s1] =	ssyncset.done $0x0  }
0x9e: {  	[sflag:s1] =	ssyncadd.s32 $0xFFFFF000  }
0x9f: {  	[spmem:s3] =	stream.indirect.scatter.add.f32 [tilespmem:s30], [sflag:$0x4], $0x80, s26, s9, $0xb8;
	[tilespmem:$0x1F780] =	vst v63  }
0xa0: {  	_ =	swait.ge [sflag:s7], $0x3800  }
0xa1: {  	[sflag:s7] =	ssyncset.done $0x0  }
0xa2: {  	[sflag:s7] =	ssyncadd.s32 $0xFFFFC800  }
0xa3: {  	_ =	swait.ge [sflag:s8], $0x1000  }
0xa4: {  	[sflag:s8] =	ssyncset.done $0x0  }
0xa5: {  	[sflag:s8] =	ssyncadd.s32 $0xFFFFF000  }
0xa6: {  	s13 =	simm.s32 @p0 $0x1FC5;
	[bflag:$0x0] =	sbarrier.arrive $0xFFFF  }
0xa7: {  	[hbm:s24], [sflag:s13] =	dma.local @p0 [spmem:s11], $0x2800  }
0xa8: {  	s11 =	simm.s32 @p0 $0x5  }
0xa9: {  	_ =	swait.ge @p0 [sflag:s11], $0x2800  }
0xaa: {  	s10 =	sadd.s32 $0x1, s10;
	[sflag:s11] =	ssyncset.done @p0 $0x0  }
0xab: {  	p1 =	sne.s32 s10, s25;
	[sflag:s11] =	ssyncadd.s32 @p0 $0xFFFFD800  }
0xac: {  	[hbm:s22], [sflag:s12] =	dma.local @!p0 [spmem:s6], $0x2700  }
.Ltmp1:
0xad: {  	_ = 	snop;
	(pc) =	sbr.rel @p1 .LBB2_1-.Ltmp1, $4  }
0xae: {  	s6 =	simm.s32 @!p0 $0x5  }
0xaf: {  	_ =	swait.ge @!p0 [sflag:s6], $0x2700  }
0xb0: {  	[sflag:s6] =	ssyncset.done @!p0 $0x0  }
0xb1: {  	[sflag:s6] =	ssyncadd.s32 @!p0 $0xFFFFD900  }
0xb2: {  	_ =	sfence.sel $0x180000  }
0xb3: {  	[bflag:$0x0] =	sbarrier.arrive $0xFFFF  }
0xb4: {  	_ =	strace $0x90000047  }
0xb5: {  	s0 =	stileid.u32;
	[bflag:$0x2] =	sbarrier.arrive $0xFFFF  }
0xb6: {  	p0 =	sne.s32 s0, $0x0;
	s0 =	rddreg [dreg:$0x4]  }
0xb7: {  	s0 =	sadd.s32 @!p0 $0x100000, s0  }
0xb8: {  	[sflag:s0] =	ssyncadd.tile.s32 @!p0 $0x1;
	_ =	shalt  }
.Lfunc_end2:
_tile_overlayer_lowered:
.L_overlay_start_2:
0xb9: {  	(tag) =	ssettag $0x2  }
0xba: {  	s0 =	rddreg [dreg:$0x0];
	s2 =	stileid.u32  }
0xbb: {  	s1 =	rddreg [dreg:$0x1];
	p0 =	sne.s32 s2, $0x0  }
0xbc: {  	s3 =	rddreg [dreg:$0x2];
	[bflag:$0x3] =	sbarrier.arrive $0xFFFF;
	s2 =	simm.s32 @!p0 $0x1C05  }
0xbd: {  	[timem:s3], [sflag:s2] =	dma.local @!p0 [hbm:s0], s1  }
0xbe: {  	s0 =	simm.s32 @!p0 $0x5  }
0xbf: {  	_ =	swait.ge @!p0 [sflag:s0], s1  }
0xc0: {  	s1 =	ssub.s32 @!p0 $0x0, s1;
	[sflag:s0] =	ssyncset.done @!p0 $0x0  }
0xc1: {  	[sflag:s0] =	ssyncadd.s32 @!p0 s1  }
0xc2: {  	[bflag:$0x3] =	sbarrier.arrive $0xFFFF  }
0xc3: {  	_ =	shalt  }

</sc_bundles>
